<compile_context>
chip_gen: v7x
topology: tpu7x:2x2x1
jax: 0.10.2.dev20260603
libtpu: 0.0.44.dev20260713+nightly
codegen_flags: <defaults>
</compile_context>

<pallas_src>
import functools

import jax
import jax.numpy as jnp
from jax import lax
from jax.experimental import pallas as pl
from jax.experimental.pallas import tpu as pltpu
from jax.experimental.pallas import tpu_sc as plsc

D_MODEL = 128
MAX_STEPS = 512
BATCH = 16384

_INFO = plsc.get_sparse_core_info()
_NC, _NS = _INFO.num_cores, _INFO.num_subcores
_NW = _NC * _NS
_B_PER_W = BATCH // _NW
_CHUNK = 64
_NCHUNK = _B_PER_W // _CHUNK
_ROWS_PER_TILE = MAX_STEPS // _NS


@functools.partial(
    pl.kernel,
    mesh=plsc.VectorSubcoreMesh(core_axis_name="c", subcore_axis_name="s"),
    out_type=jax.ShapeDtypeStruct((BATCH, D_MODEL), jnp.float32),
    scratch_types=[
        pltpu.VMEM((_NCHUNK, _CHUNK), jnp.int32),
        pltpu.VMEM((_NCHUNK, _CHUNK, D_MODEL), jnp.float32),
        pltpu.VMEM_SHARED((MAX_STEPS, D_MODEL), jnp.float32),
        pltpu.SemaphoreType.DMA((_NCHUNK,)),
        pltpu.SemaphoreType.DMA((_NCHUNK,)),
        pltpu.SemaphoreType.DMA((2,)),
    ],
)
def _emb_lookup(idx_hbm, table_hbm, out_hbm, idx_v, rows_v, tbl_s, gsem, wsem, psem):
    cid = lax.axis_index("c")
    sid = lax.axis_index("s")
    wid = sid * _NC + cid
    base = wid * _B_PER_W
    icopy = pltpu.async_copy(idx_hbm.at[wid], idx_v, psem.at[0])
    r0 = sid * _ROWS_PER_TILE
    tcopy = pltpu.async_copy(
        table_hbm.at[pl.ds(r0, _ROWS_PER_TILE)],
        tbl_s.at[pl.ds(r0, _ROWS_PER_TILE)],
        psem.at[1],
    )
    icopy.wait()
    gathers = [
        pltpu.async_copy(table_hbm.at[idx_v.at[0]], rows_v.at[0], gsem.at[0])
    ]
    tcopy.wait()
    plsc.subcore_barrier()
    gathers += [
        pltpu.async_copy(tbl_s.at[idx_v.at[j]], rows_v.at[j], gsem.at[j])
        for j in range(1, _NCHUNK)
    ]
    writes = []
    for j in range(_NCHUNK):
        gathers[j].wait()
        writes.append(
            pltpu.async_copy(
                rows_v.at[j],
                out_hbm.at[pl.ds(base + j * _CHUNK, _CHUNK)],
                wsem.at[j],
            )
        )
    for w in writes:
        w.wait()


def kernel(step_idx, emb_weight):
    idx = step_idx.reshape(_NW, _NCHUNK, _CHUNK).astype(jnp.int32)
    return _emb_lookup(idx, emb_weight)

# --- scband reference (transcript-rebuilt; emitter-appended) ---
"""Pipeline reference for scband-step-embedding-78709570667311 (READ-ONLY COPY).

The authoritative reference and input builder live on the scoring server;
editing this copy changes nothing except your own understanding.
"""

import jax, jax.numpy as jnp
import numpy as np

D_MODEL = 128
MAX_STEPS = 512
BATCH = 16384


def setup_inputs(seed: int = 0) -> dict:
    key = jax.random.key(seed)
    k_idx, k_emb = jax.random.split(key)
    step_idx = jax.random.randint(k_idx, (BATCH,), 0, MAX_STEPS, dtype=jnp.int64 if jax.config.jax_enable_x64 else jnp.int32)
    # nn.Embedding default init: N(0, 1)
    emb_weight = jax.random.normal(k_emb, (MAX_STEPS, D_MODEL), dtype=jnp.float32)
    return {"step_idx": step_idx, "emb_weight": emb_weight}


def reference(step_idx, emb_weight):
    # StepEmbedding.forward: self.emb(step_idx) -> gather rows of embedding table
    return jnp.take(emb_weight, step_idx, axis=0)

if __name__ == "__main__":
    import jax
    _d = setup_inputs()
    print(jax.jit(kernel)(*tuple(_d.values())))

</pallas_src>

<mosaic_0001>
#map = affine_map<(d0, d1) -> (0, 0, 0)>
#map1 = affine_map<(d0, d1) -> (0, 0)>
module attributes {stable_mosaic.version = 14 : i64} {
  func.func @_emb_lookup(%arg0: i32, %arg1: i32, %arg2: memref<32x8x64xi32, #tpu.memory_space<hbm>>, %arg3: memref<512x128xf32, #tpu.memory_space<hbm>>, %arg4: memref<16384x128xf32, #tpu.memory_space<hbm>>, %arg5: memref<8x64xi32, #tpu.memory_space<vmem>>, %arg6: memref<8x64x128xf32, #tpu.memory_space<vmem>>, %arg7: memref<512x128xf32, #tpu.memory_space<vmem_shared>>, %arg8: memref<8x!tpu.dma_semaphore, #tpu.memory_space<semaphore_mem>>, %arg9: memref<8x!tpu.dma_semaphore, #tpu.memory_space<semaphore_mem>>, %arg10: memref<2x!tpu.dma_semaphore, #tpu.memory_space<semaphore_mem>>) attributes {dimension_semantics = [#tpu.dimension_semantics<core_parallel>, #tpu.dimension_semantics<subcore_parallel>], iteration_bounds = array<i64: 2, 16>, scalar_prefetch = 0 : i64, scratch_operands = 6 : i64, tpu.core_type = #tpu.core_type<sc_vector_subcore>, window_params = [{transform_indices = #map}, {transform_indices = #map1}, {transform_indices = #map1}]} {
    %mul3A = arith.constant 2 : i32
    %mul3A_0 = arith.muli %arg1, %mul3A : i32
    %add3A = arith.addi %mul3A_0, %arg0 : i32
    %mul3A_1 = arith.constant 512 : i32
    %mul3A_2 = arith.muli %add3A, %mul3A_1 : i32
    %dma_start3A = arith.constant 0 : i32
    %dma_start3A_3 = arith.constant 0 : i32
    %dma_start3A_4 = arith.constant 0 : i32
    %dma_start3A_5 = tpu.memref_slice %arg2[%add3A, %dma_start3A_3, %dma_start3A_4] : memref<32x8x64xi32, #tpu.memory_space<hbm>> -> memref<1x8x64xi32, #tpu.memory_space<hbm>>
    %dma_start3A_6 = tpu.memref_squeeze %dma_start3A_5 : memref<1x8x64xi32, #tpu.memory_space<hbm>> -> memref<8x64xi32, #tpu.memory_space<hbm>>
    %dma_start3A_7 = tpu.memref_slice %arg10[%dma_start3A] : memref<2x!tpu.dma_semaphore, #tpu.memory_space<semaphore_mem>> -> memref<1x!tpu.dma_semaphore, #tpu.memory_space<semaphore_mem>>
    %dma_start3A_8 = tpu.memref_squeeze %dma_start3A_7 : memref<1x!tpu.dma_semaphore, #tpu.memory_space<semaphore_mem>> -> memref<!tpu.dma_semaphore, #tpu.memory_space<semaphore_mem>>
    %dma_start3A_9 = arith.constant 0 : i32
    %dma_start3A_10 = arith.constant 0 : i32
    %dma_start3A_11 = tpu.memref_slice %arg2[%add3A, %dma_start3A_9, %dma_start3A_10] : memref<32x8x64xi32, #tpu.memory_space<hbm>> -> memref<1x8x64xi32, #tpu.memory_space<hbm>>
    %dma_start3A_12 = tpu.memref_squeeze %dma_start3A_11 : memref<1x8x64xi32, #tpu.memory_space<hbm>> -> memref<8x64xi32, #tpu.memory_space<hbm>>
    tpu.enqueue_dma source(%dma_start3A_12 : memref<8x64xi32, #tpu.memory_space<hbm>>) target(%arg5 : memref<8x64xi32, #tpu.memory_space<vmem>>) target_semaphore(%dma_start3A_8 : memref<!tpu.dma_semaphore, #tpu.memory_space<semaphore_mem>>)
    %mul3A_13 = arith.constant 32 : i32
    %mul3A_14 = arith.muli %arg1, %mul3A_13 : i32
    %dma_start3A_15 = arith.constant 1 : i32
    %dma_start3A_16 = tpu.memref_slice %arg10[%dma_start3A_15] : memref<2x!tpu.dma_semaphore, #tpu.memory_space<semaphore_mem>> -> memref<1x!tpu.dma_semaphore, #tpu.memory_space<semaphore_mem>>
    %dma_start3A_17 = tpu.memref_squeeze %dma_start3A_16 : memref<1x!tpu.dma_semaphore, #tpu.memory_space<semaphore_mem>> -> memref<!tpu.dma_semaphore, #tpu.memory_space<semaphore_mem>>
    %dma_start3A_18 = arith.constant 0 : i32
    %dma_start3A_19 = tpu.memref_slice %arg7[%mul3A_14, %dma_start3A_18] : memref<512x128xf32, #tpu.memory_space<vmem_shared>> -> memref<32x128xf32, #tpu.memory_space<vmem_shared>>
    %dma_start3A_20 = arith.constant 0 : i32
    %dma_start3A_21 = tpu.memref_slice %arg3[%mul3A_14, %dma_start3A_20] : memref<512x128xf32, #tpu.memory_space<hbm>> -> memref<32x128xf32, #tpu.memory_space<hbm>>
    tpu.enqueue_dma source(%dma_start3A_21 : memref<32x128xf32, #tpu.memory_space<hbm>>) target(%dma_start3A_19 : memref<32x128xf32, #tpu.memory_space<vmem_shared>>) target_semaphore(%dma_start3A_17 : memref<!tpu.dma_semaphore, #tpu.memory_space<semaphore_mem>>)
    %dma_wait3A = arith.constant 0 : i32
    %dma_wait3A_22 = arith.constant 0 : i32
    %dma_wait3A_23 = arith.constant 0 : i32
    %dma_wait3A_24 = tpu.memref_slice %arg2[%add3A, %dma_wait3A_22, %dma_wait3A_23] : memref<32x8x64xi32, #tpu.memory_space<hbm>> -> memref<1x8x64xi32, #tpu.memory_space<hbm>>
    %dma_wait3A_25 = tpu.memref_squeeze %dma_wait3A_24 : memref<1x8x64xi32, #tpu.memory_space<hbm>> -> memref<8x64xi32, #tpu.memory_space<hbm>>
    %dma_wait3A_26 = tpu.memref_slice %arg10[%dma_wait3A] : memref<2x!tpu.dma_semaphore, #tpu.memory_space<semaphore_mem>> -> memref<1x!tpu.dma_semaphore, #tpu.memory_space<semaphore_mem>>
    %dma_wait3A_27 = tpu.memref_squeeze %dma_wait3A_26 : memref<1x!tpu.dma_semaphore, #tpu.memory_space<semaphore_mem>> -> memref<!tpu.dma_semaphore, #tpu.memory_space<semaphore_mem>>
    %dma_wait3A_28 = arith.constant 0 : i32
    %dma_wait3A_29 = arith.constant 0 : i32
    %dma_wait3A_30 = tpu.memref_slice %arg2[%add3A, %dma_wait3A_28, %dma_wait3A_29] : memref<32x8x64xi32, #tpu.memory_space<hbm>> -> memref<1x8x64xi32, #tpu.memory_space<hbm>>
    %dma_wait3A_31 = tpu.memref_squeeze %dma_wait3A_30 : memref<1x8x64xi32, #tpu.memory_space<hbm>> -> memref<8x64xi32, #tpu.memory_space<hbm>>
    tpu.wait_dma2 semaphore(%dma_wait3A_27 : memref<!tpu.dma_semaphore, #tpu.memory_space<semaphore_mem>>) src(%dma_wait3A_31 : memref<8x64xi32, #tpu.memory_space<hbm>>) dst(%arg5 : memref<8x64xi32, #tpu.memory_space<vmem>>)
    %dma_start3A_32 = arith.constant 0 : i32
    %dma_start3A_33 = arith.constant 0 : i32
    %dma_start3A_34 = arith.constant 0 : i32
    %dma_start3A_35 = arith.constant 0 : i32
    %dma_start3A_36 = arith.constant 0 : i32
    %dma_start3A_37 = tpu.memref_slice %arg6[%dma_start3A_33, %dma_start3A_35, %dma_start3A_36] : memref<8x64x128xf32, #tpu.memory_space<vmem>> -> memref<1x64x128xf32, #tpu.memory_space<vmem>>
    %dma_start3A_38 = tpu.memref_squeeze %dma_start3A_37 : memref<1x64x128xf32, #tpu.memory_space<vmem>> -> memref<64x128xf32, #tpu.memory_space<vmem>>
    %dma_start3A_39 = arith.constant 0 : i32
    %dma_start3A_40 = tpu.memref_slice %arg5[%dma_start3A_32, %dma_start3A_39] : memref<8x64xi32, #tpu.memory_space<vmem>> -> memref<1x64xi32, #tpu.memory_space<vmem>>
    %dma_start3A_41 = tpu.memref_squeeze %dma_start3A_40 : memref<1x64xi32, #tpu.memory_space<vmem>> -> memref<64xi32, #tpu.memory_space<vmem>>
    %dma_start3A_42 = arith.constant 0 : i32
    %dma_start3A_43 = arith.constant 0 : i32
    %dma_start3A_44 = tpu.memref_slice %arg3[%dma_start3A_42, %dma_start3A_43] : memref<512x128xf32, #tpu.memory_space<hbm>> -> memref<512x128xf32, #tpu.memory_space<hbm>>
    %dma_start3A_45 = tpu.memref_slice %arg8[%dma_start3A_34] : memref<8x!tpu.dma_semaphore, #tpu.memory_space<semaphore_mem>> -> memref<1x!tpu.dma_semaphore, #tpu.memory_space<semaphore_mem>>
    %dma_start3A_46 = tpu.memref_squeeze %dma_start3A_45 : memref<1x!tpu.dma_semaphore, #tpu.memory_space<semaphore_mem>> -> memref<!tpu.dma_semaphore, #tpu.memory_space<semaphore_mem>>
    tpu.enqueue_indirect_dma source(%dma_start3A_44 : memref<512x128xf32, #tpu.memory_space<hbm>>) target(%dma_start3A_38 : memref<64x128xf32, #tpu.memory_space<vmem>>) offsets(%dma_start3A_41 : memref<64xi32, #tpu.memory_space<vmem>>) semaphore(%dma_start3A_46 : memref<!tpu.dma_semaphore, #tpu.memory_space<semaphore_mem>>)
    %dma_wait3A_47 = arith.constant 1 : i32
    %dma_wait3A_48 = tpu.memref_slice %arg10[%dma_wait3A_47] : memref<2x!tpu.dma_semaphore, #tpu.memory_space<semaphore_mem>> -> memref<1x!tpu.dma_semaphore, #tpu.memory_space<semaphore_mem>>
    %dma_wait3A_49 = tpu.memref_squeeze %dma_wait3A_48 : memref<1x!tpu.dma_semaphore, #tpu.memory_space<semaphore_mem>> -> memref<!tpu.dma_semaphore, #tpu.memory_space<semaphore_mem>>
    %dma_wait3A_50 = arith.constant 0 : i32
    %dma_wait3A_51 = tpu.memref_slice %arg7[%mul3A_14, %dma_wait3A_50] : memref<512x128xf32, #tpu.memory_space<vmem_shared>> -> memref<32x128xf32, #tpu.memory_space<vmem_shared>>
    %dma_wait3A_52 = arith.constant 0 : i32
    %dma_wait3A_53 = tpu.memref_slice %arg3[%mul3A_14, %dma_wait3A_52] : memref<512x128xf32, #tpu.memory_space<hbm>> -> memref<32x128xf32, #tpu.memory_space<hbm>>
    tpu.wait_dma2 semaphore(%dma_wait3A_49 : memref<!tpu.dma_semaphore, #tpu.memory_space<semaphore_mem>>) src(%dma_wait3A_53 : memref<32x128xf32, #tpu.memory_space<hbm>>) dst(%dma_wait3A_51 : memref<32x128xf32, #tpu.memory_space<vmem_shared>>)
    %barrier3A = arith.constant 0 : index
    tpu.barrier barrier_id(%barrier3A)
    %dma_start3A_54 = arith.constant 1 : i32
    %dma_start3A_55 = arith.constant 1 : i32
    %dma_start3A_56 = arith.constant 1 : i32
    %dma_start3A_57 = arith.constant 0 : i32
    %dma_start3A_58 = arith.constant 0 : i32
    %dma_start3A_59 = tpu.memref_slice %arg6[%dma_start3A_55, %dma_start3A_57, %dma_start3A_58] : memref<8x64x128xf32, #tpu.memory_space<vmem>> -> memref<1x64x128xf32, #tpu.memory_space<vmem>>
    %dma_start3A_60 = tpu.memref_squeeze %dma_start3A_59 : memref<1x64x128xf32, #tpu.memory_space<vmem>> -> memref<64x128xf32, #tpu.memory_space<vmem>>
    %dma_start3A_61 = arith.constant 0 : i32
    %dma_start3A_62 = tpu.memref_slice %arg5[%dma_start3A_54, %dma_start3A_61] : memref<8x64xi32, #tpu.memory_space<vmem>> -> memref<1x64xi32, #tpu.memory_space<vmem>>
    %dma_start3A_63 = tpu.memref_squeeze %dma_start3A_62 : memref<1x64xi32, #tpu.memory_space<vmem>> -> memref<64xi32, #tpu.memory_space<vmem>>
    %dma_start3A_64 = arith.constant 0 : i32
    %dma_start3A_65 = arith.constant 0 : i32
    %dma_start3A_66 = tpu.memref_slice %arg7[%dma_start3A_64, %dma_start3A_65] : memref<512x128xf32, #tpu.memory_space<vmem_shared>> -> memref<512x128xf32, #tpu.memory_space<vmem_shared>>
    %dma_start3A_67 = tpu.memref_slice %arg8[%dma_start3A_56] : memref<8x!tpu.dma_semaphore, #tpu.memory_space<semaphore_mem>> -> memref<1x!tpu.dma_semaphore, #tpu.memory_space<semaphore_mem>>
    %dma_start3A_68 = tpu.memref_squeeze %dma_start3A_67 : memref<1x!tpu.dma_semaphore, #tpu.memory_space<semaphore_mem>> -> memref<!tpu.dma_semaphore, #tpu.memory_space<semaphore_mem>>
    tpu.enqueue_indirect_dma source(%dma_start3A_66 : memref<512x128xf32, #tpu.memory_space<vmem_shared>>) target(%dma_start3A_60 : memref<64x128xf32, #tpu.memory_space<vmem>>) offsets(%dma_start3A_63 : memref<64xi32, #tpu.memory_space<vmem>>) semaphore(%dma_start3A_68 : memref<!tpu.dma_semaphore, #tpu.memory_space<semaphore_mem>>)
    %dma_start3A_69 = arith.constant 2 : i32
    %dma_start3A_70 = arith.constant 2 : i32
    %dma_start3A_71 = arith.constant 2 : i32
    %dma_start3A_72 = arith.constant 0 : i32
    %dma_start3A_73 = arith.constant 0 : i32
    %dma_start3A_74 = tpu.memref_slice %arg6[%dma_start3A_70, %dma_start3A_72, %dma_start3A_73] : memref<8x64x128xf32, #tpu.memory_space<vmem>> -> memref<1x64x128xf32, #tpu.memory_space<vmem>>
    %dma_start3A_75 = tpu.memref_squeeze %dma_start3A_74 : memref<1x64x128xf32, #tpu.memory_space<vmem>> -> memref<64x128xf32, #tpu.memory_space<vmem>>
    %dma_start3A_76 = arith.constant 0 : i32
    %dma_start3A_77 = tpu.memref_slice %arg5[%dma_start3A_69, %dma_start3A_76] : memref<8x64xi32, #tpu.memory_space<vmem>> -> memref<1x64xi32, #tpu.memory_space<vmem>>
    %dma_start3A_78 = tpu.memref_squeeze %dma_start3A_77 : memref<1x64xi32, #tpu.memory_space<vmem>> -> memref<64xi32, #tpu.memory_space<vmem>>
    %dma_start3A_79 = arith.constant 0 : i32
    %dma_start3A_80 = arith.constant 0 : i32
    %dma_start3A_81 = tpu.memref_slice %arg7[%dma_start3A_79, %dma_start3A_80] : memref<512x128xf32, #tpu.memory_space<vmem_shared>> -> memref<512x128xf32, #tpu.memory_space<vmem_shared>>
    %dma_start3A_82 = tpu.memref_slice %arg8[%dma_start3A_71] : memref<8x!tpu.dma_semaphore, #tpu.memory_space<semaphore_mem>> -> memref<1x!tpu.dma_semaphore, #tpu.memory_space<semaphore_mem>>
    %dma_start3A_83 = tpu.memref_squeeze %dma_start3A_82 : memref<1x!tpu.dma_semaphore, #tpu.memory_space<semaphore_mem>> -> memref<!tpu.dma_semaphore, #tpu.memory_space<semaphore_mem>>
    tpu.enqueue_indirect_dma source(%dma_start3A_81 : memref<512x128xf32, #tpu.memory_space<vmem_shared>>) target(%dma_start3A_75 : memref<64x128xf32, #tpu.memory_space<vmem>>) offsets(%dma_start3A_78 : memref<64xi32, #tpu.memory_space<vmem>>) semaphore(%dma_start3A_83 : memref<!tpu.dma_semaphore, #tpu.memory_space<semaphore_mem>>)
    %dma_start3A_84 = arith.constant 3 : i32
    %dma_start3A_85 = arith.constant 3 : i32
    %dma_start3A_86 = arith.constant 3 : i32
    %dma_start3A_87 = arith.constant 0 : i32
    %dma_start3A_88 = arith.constant 0 : i32
    %dma_start3A_89 = tpu.memref_slice %arg6[%dma_start3A_85, %dma_start3A_87, %dma_start3A_88] : memref<8x64x128xf32, #tpu.memory_space<vmem>> -> memref<1x64x128xf32, #tpu.memory_space<vmem>>
    %dma_start3A_90 = tpu.memref_squeeze %dma_start3A_89 : memref<1x64x128xf32, #tpu.memory_space<vmem>> -> memref<64x128xf32, #tpu.memory_space<vmem>>
    %dma_start3A_91 = arith.constant 0 : i32
    %dma_start3A_92 = tpu.memref_slice %arg5[%dma_start3A_84, %dma_start3A_91] : memref<8x64xi32, #tpu.memory_space<vmem>> -> memref<1x64xi32, #tpu.memory_space<vmem>>
    %dma_start3A_93 = tpu.memref_squeeze %dma_start3A_92 : memref<1x64xi32, #tpu.memory_space<vmem>> -> memref<64xi32, #tpu.memory_space<vmem>>
    %dma_start3A_94 = arith.constant 0 : i32
    %dma_start3A_95 = arith.constant 0 : i32
    %dma_start3A_96 = tpu.memref_slice %arg7[%dma_start3A_94, %dma_start3A_95] : memref<512x128xf32, #tpu.memory_space<vmem_shared>> -> memref<512x128xf32, #tpu.memory_space<vmem_shared>>
    %dma_start3A_97 = tpu.memref_slice %arg8[%dma_start3A_86] : memref<8x!tpu.dma_semaphore, #tpu.memory_space<semaphore_mem>> -> memref<1x!tpu.dma_semaphore, #tpu.memory_space<semaphore_mem>>
    %dma_start3A_98 = tpu.memref_squeeze %dma_start3A_97 : memref<1x!tpu.dma_semaphore, #tpu.memory_space<semaphore_mem>> -> memref<!tpu.dma_semaphore, #tpu.memory_space<semaphore_mem>>
    tpu.enqueue_indirect_dma source(%dma_start3A_96 : memref<512x128xf32, #tpu.memory_space<vmem_shared>>) target(%dma_start3A_90 : memref<64x128xf32, #tpu.memory_space<vmem>>) offsets(%dma_start3A_93 : memref<64xi32, #tpu.memory_space<vmem>>) semaphore(%dma_start3A_98 : memref<!tpu.dma_semaphore, #tpu.memory_space<semaphore_mem>>)
    %dma_start3A_99 = arith.constant 4 : i32
    %dma_start3A_100 = arith.constant 4 : i32
    %dma_start3A_101 = arith.constant 4 : i32
    %dma_start3A_102 = arith.constant 0 : i32
    %dma_start3A_103 = arith.constant 0 : i32
    %dma_start3A_104 = tpu.memref_slice %arg6[%dma_start3A_100, %dma_start3A_102, %dma_start3A_103] : memref<8x64x128xf32, #tpu.memory_space<vmem>> -> memref<1x64x128xf32, #tpu.memory_space<vmem>>
    %dma_start3A_105 = tpu.memref_squeeze %dma_start3A_104 : memref<1x64x128xf32, #tpu.memory_space<vmem>> -> memref<64x128xf32, #tpu.memory_space<vmem>>
    %dma_start3A_106 = arith.constant 0 : i32
    %dma_start3A_107 = tpu.memref_slice %arg5[%dma_start3A_99, %dma_start3A_106] : memref<8x64xi32, #tpu.memory_space<vmem>> -> memref<1x64xi32, #tpu.memory_space<vmem>>
    %dma_start3A_108 = tpu.memref_squeeze %dma_start3A_107 : memref<1x64xi32, #tpu.memory_space<vmem>> -> memref<64xi32, #tpu.memory_space<vmem>>
    %dma_start3A_109 = arith.constant 0 : i32
    %dma_start3A_110 = arith.constant 0 : i32
    %dma_start3A_111 = tpu.memref_slice %arg7[%dma_start3A_109, %dma_start3A_110] : memref<512x128xf32, #tpu.memory_space<vmem_shared>> -> memref<512x128xf32, #tpu.memory_space<vmem_shared>>
    %dma_start3A_112 = tpu.memref_slice %arg8[%dma_start3A_101] : memref<8x!tpu.dma_semaphore, #tpu.memory_space<semaphore_mem>> -> memref<1x!tpu.dma_semaphore, #tpu.memory_space<semaphore_mem>>
    %dma_start3A_113 = tpu.memref_squeeze %dma_start3A_112 : memref<1x!tpu.dma_semaphore, #tpu.memory_space<semaphore_mem>> -> memref<!tpu.dma_semaphore, #tpu.memory_space<semaphore_mem>>
    tpu.enqueue_indirect_dma source(%dma_start3A_111 : memref<512x128xf32, #tpu.memory_space<vmem_shared>>) target(%dma_start3A_105 : memref<64x128xf32, #tpu.memory_space<vmem>>) offsets(%dma_start3A_108 : memref<64xi32, #tpu.memory_space<vmem>>) semaphore(%dma_start3A_113 : memref<!tpu.dma_semaphore, #tpu.memory_space<semaphore_mem>>)
    %dma_start3A_114 = arith.constant 5 : i32
    %dma_start3A_115 = arith.constant 5 : i32
    %dma_start3A_116 = arith.constant 5 : i32
    %dma_start3A_117 = arith.constant 0 : i32
    %dma_start3A_118 = arith.constant 0 : i32
    %dma_start3A_119 = tpu.memref_slice %arg6[%dma_start3A_115, %dma_start3A_117, %dma_start3A_118] : memref<8x64x128xf32, #tpu.memory_space<vmem>> -> memref<1x64x128xf32, #tpu.memory_space<vmem>>
    %dma_start3A_120 = tpu.memref_squeeze %dma_start3A_119 : memref<1x64x128xf32, #tpu.memory_space<vmem>> -> memref<64x128xf32, #tpu.memory_space<vmem>>
    %dma_start3A_121 = arith.constant 0 : i32
    %dma_start3A_122 = tpu.memref_slice %arg5[%dma_start3A_114, %dma_start3A_121] : memref<8x64xi32, #tpu.memory_space<vmem>> -> memref<1x64xi32, #tpu.memory_space<vmem>>
    %dma_start3A_123 = tpu.memref_squeeze %dma_start3A_122 : memref<1x64xi32, #tpu.memory_space<vmem>> -> memref<64xi32, #tpu.memory_space<vmem>>
    %dma_start3A_124 = arith.constant 0 : i32
    %dma_start3A_125 = arith.constant 0 : i32
    %dma_start3A_126 = tpu.memref_slice %arg7[%dma_start3A_124, %dma_start3A_125] : memref<512x128xf32, #tpu.memory_space<vmem_shared>> -> memref<512x128xf32, #tpu.memory_space<vmem_shared>>
    %dma_start3A_127 = tpu.memref_slice %arg8[%dma_start3A_116] : memref<8x!tpu.dma_semaphore, #tpu.memory_space<semaphore_mem>> -> memref<1x!tpu.dma_semaphore, #tpu.memory_space<semaphore_mem>>
    %dma_start3A_128 = tpu.memref_squeeze %dma_start3A_127 : memref<1x!tpu.dma_semaphore, #tpu.memory_space<semaphore_mem>> -> memref<!tpu.dma_semaphore, #tpu.memory_space<semaphore_mem>>
    tpu.enqueue_indirect_dma source(%dma_start3A_126 : memref<512x128xf32, #tpu.memory_space<vmem_shared>>) target(%dma_start3A_120 : memref<64x128xf32, #tpu.memory_space<vmem>>) offsets(%dma_start3A_123 : memref<64xi32, #tpu.memory_space<vmem>>) semaphore(%dma_start3A_128 : memref<!tpu.dma_semaphore, #tpu.memory_space<semaphore_mem>>)
    %dma_start3A_129 = arith.constant 6 : i32
    %dma_start3A_130 = arith.constant 6 : i32
    %dma_start3A_131 = arith.constant 6 : i32
    %dma_start3A_132 = arith.constant 0 : i32
    %dma_start3A_133 = arith.constant 0 : i32
    %dma_start3A_134 = tpu.memref_slice %arg6[%dma_start3A_130, %dma_start3A_132, %dma_start3A_133] : memref<8x64x128xf32, #tpu.memory_space<vmem>> -> memref<1x64x128xf32, #tpu.memory_space<vmem>>
    %dma_start3A_135 = tpu.memref_squeeze %dma_start3A_134 : memref<1x64x128xf32, #tpu.memory_space<vmem>> -> memref<64x128xf32, #tpu.memory_space<vmem>>
    %dma_start3A_136 = arith.constant 0 : i32
    %dma_start3A_137 = tpu.memref_slice %arg5[%dma_start3A_129, %dma_start3A_136] : memref<8x64xi32, #tpu.memory_space<vmem>> -> memref<1x64xi32, #tpu.memory_space<vmem>>
    %dma_start3A_138 = tpu.memref_squeeze %dma_start3A_137 : memref<1x64xi32, #tpu.memory_space<vmem>> -> memref<64xi32, #tpu.memory_space<vmem>>
    %dma_start3A_139 = arith.constant 0 : i32
    %dma_start3A_140 = arith.constant 0 : i32
    %dma_start3A_141 = tpu.memref_slice %arg7[%dma_start3A_139, %dma_start3A_140] : memref<512x128xf32, #tpu.memory_space<vmem_shared>> -> memref<512x128xf32, #tpu.memory_space<vmem_shared>>
    %dma_start3A_142 = tpu.memref_slice %arg8[%dma_start3A_131] : memref<8x!tpu.dma_semaphore, #tpu.memory_space<semaphore_mem>> -> memref<1x!tpu.dma_semaphore, #tpu.memory_space<semaphore_mem>>
    %dma_start3A_143 = tpu.memref_squeeze %dma_start3A_142 : memref<1x!tpu.dma_semaphore, #tpu.memory_space<semaphore_mem>> -> memref<!tpu.dma_semaphore, #tpu.memory_space<semaphore_mem>>
    tpu.enqueue_indirect_dma source(%dma_start3A_141 : memref<512x128xf32, #tpu.memory_space<vmem_shared>>) target(%dma_start3A_135 : memref<64x128xf32, #tpu.memory_space<vmem>>) offsets(%dma_start3A_138 : memref<64xi32, #tpu.memory_space<vmem>>) semaphore(%dma_start3A_143 : memref<!tpu.dma_semaphore, #tpu.memory_space<semaphore_mem>>)
    %dma_start3A_144 = arith.constant 7 : i32
    %dma_start3A_145 = arith.constant 7 : i32
    %dma_start3A_146 = arith.constant 7 : i32
    %dma_start3A_147 = arith.constant 0 : i32
    %dma_start3A_148 = arith.constant 0 : i32
    %dma_start3A_149 = tpu.memref_slice %arg6[%dma_start3A_145, %dma_start3A_147, %dma_start3A_148] : memref<8x64x128xf32, #tpu.memory_space<vmem>> -> memref<1x64x128xf32, #tpu.memory_space<vmem>>
    %dma_start3A_150 = tpu.memref_squeeze %dma_start3A_149 : memref<1x64x128xf32, #tpu.memory_space<vmem>> -> memref<64x128xf32, #tpu.memory_space<vmem>>
    %dma_start3A_151 = arith.constant 0 : i32
    %dma_start3A_152 = tpu.memref_slice %arg5[%dma_start3A_144, %dma_start3A_151] : memref<8x64xi32, #tpu.memory_space<vmem>> -> memref<1x64xi32, #tpu.memory_space<vmem>>
    %dma_start3A_153 = tpu.memref_squeeze %dma_start3A_152 : memref<1x64xi32, #tpu.memory_space<vmem>> -> memref<64xi32, #tpu.memory_space<vmem>>
    %dma_start3A_154 = arith.constant 0 : i32
    %dma_start3A_155 = arith.constant 0 : i32
    %dma_start3A_156 = tpu.memref_slice %arg7[%dma_start3A_154, %dma_start3A_155] : memref<512x128xf32, #tpu.memory_space<vmem_shared>> -> memref<512x128xf32, #tpu.memory_space<vmem_shared>>
    %dma_start3A_157 = tpu.memref_slice %arg8[%dma_start3A_146] : memref<8x!tpu.dma_semaphore, #tpu.memory_space<semaphore_mem>> -> memref<1x!tpu.dma_semaphore, #tpu.memory_space<semaphore_mem>>
    %dma_start3A_158 = tpu.memref_squeeze %dma_start3A_157 : memref<1x!tpu.dma_semaphore, #tpu.memory_space<semaphore_mem>> -> memref<!tpu.dma_semaphore, #tpu.memory_space<semaphore_mem>>
    tpu.enqueue_indirect_dma source(%dma_start3A_156 : memref<512x128xf32, #tpu.memory_space<vmem_shared>>) target(%dma_start3A_150 : memref<64x128xf32, #tpu.memory_space<vmem>>) offsets(%dma_start3A_153 : memref<64xi32, #tpu.memory_space<vmem>>) semaphore(%dma_start3A_158 : memref<!tpu.dma_semaphore, #tpu.memory_space<semaphore_mem>>)
    %dma_wait3A_159 = arith.constant 0 : i32
    %dma_wait3A_160 = arith.constant 0 : i32
    %dma_wait3A_161 = arith.constant 0 : i32
    %dma_wait3A_162 = arith.constant 0 : i32
    %dma_wait3A_163 = arith.constant 0 : i32
    %dma_wait3A_164 = tpu.memref_slice %arg6[%dma_wait3A_160, %dma_wait3A_162, %dma_wait3A_163] : memref<8x64x128xf32, #tpu.memory_space<vmem>> -> memref<1x64x128xf32, #tpu.memory_space<vmem>>
    %dma_wait3A_165 = tpu.memref_squeeze %dma_wait3A_164 : memref<1x64x128xf32, #tpu.memory_space<vmem>> -> memref<64x128xf32, #tpu.memory_space<vmem>>
    %dma_wait3A_166 = arith.constant 0 : i32
    %dma_wait3A_167 = tpu.memref_slice %arg5[%dma_wait3A_159, %dma_wait3A_166] : memref<8x64xi32, #tpu.memory_space<vmem>> -> memref<1x64xi32, #tpu.memory_space<vmem>>
    %dma_wait3A_168 = tpu.memref_squeeze %dma_wait3A_167 : memref<1x64xi32, #tpu.memory_space<vmem>> -> memref<64xi32, #tpu.memory_space<vmem>>
    %dma_wait3A_169 = arith.constant 0 : i32
    %dma_wait3A_170 = arith.constant 0 : i32
    %dma_wait3A_171 = tpu.memref_slice %arg3[%dma_wait3A_169, %dma_wait3A_170] : memref<512x128xf32, #tpu.memory_space<hbm>> -> memref<512x128xf32, #tpu.memory_space<hbm>>
    %dma_wait3A_172 = tpu.memref_slice %arg8[%dma_wait3A_161] : memref<8x!tpu.dma_semaphore, #tpu.memory_space<semaphore_mem>> -> memref<1x!tpu.dma_semaphore, #tpu.memory_space<semaphore_mem>>
    %dma_wait3A_173 = tpu.memref_squeeze %dma_wait3A_172 : memref<1x!tpu.dma_semaphore, #tpu.memory_space<semaphore_mem>> -> memref<!tpu.dma_semaphore, #tpu.memory_space<semaphore_mem>>
    tpu.wait_indirect_dma semaphore(%dma_wait3A_173 : memref<!tpu.dma_semaphore, #tpu.memory_space<semaphore_mem>>) src(%dma_wait3A_171 : memref<512x128xf32, #tpu.memory_space<hbm>>) dst(%dma_wait3A_165 : memref<64x128xf32, #tpu.memory_space<vmem>>)
    %add3A_174 = arith.constant 0 : i32
    %add3A_175 = arith.addi %mul3A_2, %add3A_174 : i32
    %dma_start3A_176 = arith.constant 0 : i32
    %dma_start3A_177 = arith.constant 0 : i32
    %dma_start3A_178 = arith.constant 0 : i32
    %dma_start3A_179 = arith.constant 0 : i32
    %dma_start3A_180 = tpu.memref_slice %arg6[%dma_start3A_176, %dma_start3A_178, %dma_start3A_179] : memref<8x64x128xf32, #tpu.memory_space<vmem>> -> memref<1x64x128xf32, #tpu.memory_space<vmem>>
    %dma_start3A_181 = tpu.memref_squeeze %dma_start3A_180 : memref<1x64x128xf32, #tpu.memory_space<vmem>> -> memref<64x128xf32, #tpu.memory_space<vmem>>
    %dma_start3A_182 = arith.constant 0 : i32
    %dma_start3A_183 = tpu.memref_slice %arg4[%add3A_175, %dma_start3A_182] : memref<16384x128xf32, #tpu.memory_space<hbm>> -> memref<64x128xf32, #tpu.memory_space<hbm>>
    %dma_start3A_184 = tpu.memref_slice %arg9[%dma_start3A_177] : memref<8x!tpu.dma_semaphore, #tpu.memory_space<semaphore_mem>> -> memref<1x!tpu.dma_semaphore, #tpu.memory_space<semaphore_mem>>
    %dma_start3A_185 = tpu.memref_squeeze %dma_start3A_184 : memref<1x!tpu.dma_semaphore, #tpu.memory_space<semaphore_mem>> -> memref<!tpu.dma_semaphore, #tpu.memory_space<semaphore_mem>>
    %dma_start3A_186 = arith.constant 0 : i32
    %dma_start3A_187 = tpu.memref_slice %arg4[%add3A_175, %dma_start3A_186] : memref<16384x128xf32, #tpu.memory_space<hbm>> -> memref<64x128xf32, #tpu.memory_space<hbm>>
    %dma_start3A_188 = arith.constant 0 : i32
    %dma_start3A_189 = arith.constant 0 : i32
    %dma_start3A_190 = tpu.memref_slice %arg6[%dma_start3A_176, %dma_start3A_188, %dma_start3A_189] : memref<8x64x128xf32, #tpu.memory_space<vmem>> -> memref<1x64x128xf32, #tpu.memory_space<vmem>>
    %dma_start3A_191 = tpu.memref_squeeze %dma_start3A_190 : memref<1x64x128xf32, #tpu.memory_space<vmem>> -> memref<64x128xf32, #tpu.memory_space<vmem>>
    tpu.enqueue_dma source(%dma_start3A_191 : memref<64x128xf32, #tpu.memory_space<vmem>>) target(%dma_start3A_187 : memref<64x128xf32, #tpu.memory_space<hbm>>) target_semaphore(%dma_start3A_185 : memref<!tpu.dma_semaphore, #tpu.memory_space<semaphore_mem>>)
    %dma_wait3A_192 = arith.constant 1 : i32
    %dma_wait3A_193 = arith.constant 1 : i32
    %dma_wait3A_194 = arith.constant 1 : i32
    %dma_wait3A_195 = arith.constant 0 : i32
    %dma_wait3A_196 = arith.constant 0 : i32
    %dma_wait3A_197 = tpu.memref_slice %arg6[%dma_wait3A_193, %dma_wait3A_195, %dma_wait3A_196] : memref<8x64x128xf32, #tpu.memory_space<vmem>> -> memref<1x64x128xf32, #tpu.memory_space<vmem>>
    %dma_wait3A_198 = tpu.memref_squeeze %dma_wait3A_197 : memref<1x64x128xf32, #tpu.memory_space<vmem>> -> memref<64x128xf32, #tpu.memory_space<vmem>>
    %dma_wait3A_199 = arith.constant 0 : i32
    %dma_wait3A_200 = tpu.memref_slice %arg5[%dma_wait3A_192, %dma_wait3A_199] : memref<8x64xi32, #tpu.memory_space<vmem>> -> memref<1x64xi32, #tpu.memory_space<vmem>>
    %dma_wait3A_201 = tpu.memref_squeeze %dma_wait3A_200 : memref<1x64xi32, #tpu.memory_space<vmem>> -> memref<64xi32, #tpu.memory_space<vmem>>
    %dma_wait3A_202 = arith.constant 0 : i32
    %dma_wait3A_203 = arith.constant 0 : i32
    %dma_wait3A_204 = tpu.memref_slice %arg7[%dma_wait3A_202, %dma_wait3A_203] : memref<512x128xf32, #tpu.memory_space<vmem_shared>> -> memref<512x128xf32, #tpu.memory_space<vmem_shared>>
    %dma_wait3A_205 = tpu.memref_slice %arg8[%dma_wait3A_194] : memref<8x!tpu.dma_semaphore, #tpu.memory_space<semaphore_mem>> -> memref<1x!tpu.dma_semaphore, #tpu.memory_space<semaphore_mem>>
    %dma_wait3A_206 = tpu.memref_squeeze %dma_wait3A_205 : memref<1x!tpu.dma_semaphore, #tpu.memory_space<semaphore_mem>> -> memref<!tpu.dma_semaphore, #tpu.memory_space<semaphore_mem>>
    tpu.wait_indirect_dma semaphore(%dma_wait3A_206 : memref<!tpu.dma_semaphore, #tpu.memory_space<semaphore_mem>>) src(%dma_wait3A_204 : memref<512x128xf32, #tpu.memory_space<vmem_shared>>) dst(%dma_wait3A_198 : memref<64x128xf32, #tpu.memory_space<vmem>>)
    %add3A_207 = arith.constant 64 : i32
    %add3A_208 = arith.addi %mul3A_2, %add3A_207 : i32
    %dma_start3A_209 = arith.constant 1 : i32
    %dma_start3A_210 = arith.constant 1 : i32
    %dma_start3A_211 = arith.constant 0 : i32
    %dma_start3A_212 = arith.constant 0 : i32
    %dma_start3A_213 = tpu.memref_slice %arg6[%dma_start3A_209, %dma_start3A_211, %dma_start3A_212] : memref<8x64x128xf32, #tpu.memory_space<vmem>> -> memref<1x64x128xf32, #tpu.memory_space<vmem>>
    %dma_start3A_214 = tpu.memref_squeeze %dma_start3A_213 : memref<1x64x128xf32, #tpu.memory_space<vmem>> -> memref<64x128xf32, #tpu.memory_space<vmem>>
    %dma_start3A_215 = arith.constant 0 : i32
    %dma_start3A_216 = tpu.memref_slice %arg4[%add3A_208, %dma_start3A_215] : memref<16384x128xf32, #tpu.memory_space<hbm>> -> memref<64x128xf32, #tpu.memory_space<hbm>>
    %dma_start3A_217 = tpu.memref_slice %arg9[%dma_start3A_210] : memref<8x!tpu.dma_semaphore, #tpu.memory_space<semaphore_mem>> -> memref<1x!tpu.dma_semaphore, #tpu.memory_space<semaphore_mem>>
    %dma_start3A_218 = tpu.memref_squeeze %dma_start3A_217 : memref<1x!tpu.dma_semaphore, #tpu.memory_space<semaphore_mem>> -> memref<!tpu.dma_semaphore, #tpu.memory_space<semaphore_mem>>
    %dma_start3A_219 = arith.constant 0 : i32
    %dma_start3A_220 = tpu.memref_slice %arg4[%add3A_208, %dma_start3A_219] : memref<16384x128xf32, #tpu.memory_space<hbm>> -> memref<64x128xf32, #tpu.memory_space<hbm>>
    %dma_start3A_221 = arith.constant 0 : i32
    %dma_start3A_222 = arith.constant 0 : i32
    %dma_start3A_223 = tpu.memref_slice %arg6[%dma_start3A_209, %dma_start3A_221, %dma_start3A_222] : memref<8x64x128xf32, #tpu.memory_space<vmem>> -> memref<1x64x128xf32, #tpu.memory_space<vmem>>
    %dma_start3A_224 = tpu.memref_squeeze %dma_start3A_223 : memref<1x64x128xf32, #tpu.memory_space<vmem>> -> memref<64x128xf32, #tpu.memory_space<vmem>>
    tpu.enqueue_dma source(%dma_start3A_224 : memref<64x128xf32, #tpu.memory_space<vmem>>) target(%dma_start3A_220 : memref<64x128xf32, #tpu.memory_space<hbm>>) target_semaphore(%dma_start3A_218 : memref<!tpu.dma_semaphore, #tpu.memory_space<semaphore_mem>>)
    %dma_wait3A_225 = arith.constant 2 : i32
    %dma_wait3A_226 = arith.constant 2 : i32
    %dma_wait3A_227 = arith.constant 2 : i32
    %dma_wait3A_228 = arith.constant 0 : i32
    %dma_wait3A_229 = arith.constant 0 : i32
    %dma_wait3A_230 = tpu.memref_slice %arg6[%dma_wait3A_226, %dma_wait3A_228, %dma_wait3A_229] : memref<8x64x128xf32, #tpu.memory_space<vmem>> -> memref<1x64x128xf32, #tpu.memory_space<vmem>>
    %dma_wait3A_231 = tpu.memref_squeeze %dma_wait3A_230 : memref<1x64x128xf32, #tpu.memory_space<vmem>> -> memref<64x128xf32, #tpu.memory_space<vmem>>
    %dma_wait3A_232 = arith.constant 0 : i32
    %dma_wait3A_233 = tpu.memref_slice %arg5[%dma_wait3A_225, %dma_wait3A_232] : memref<8x64xi32, #tpu.memory_space<vmem>> -> memref<1x64xi32, #tpu.memory_space<vmem>>
    %dma_wait3A_234 = tpu.memref_squeeze %dma_wait3A_233 : memref<1x64xi32, #tpu.memory_space<vmem>> -> memref<64xi32, #tpu.memory_space<vmem>>
    %dma_wait3A_235 = arith.constant 0 : i32
    %dma_wait3A_236 = arith.constant 0 : i32
    %dma_wait3A_237 = tpu.memref_slice %arg7[%dma_wait3A_235, %dma_wait3A_236] : memref<512x128xf32, #tpu.memory_space<vmem_shared>> -> memref<512x128xf32, #tpu.memory_space<vmem_shared>>
    %dma_wait3A_238 = tpu.memref_slice %arg8[%dma_wait3A_227] : memref<8x!tpu.dma_semaphore, #tpu.memory_space<semaphore_mem>> -> memref<1x!tpu.dma_semaphore, #tpu.memory_space<semaphore_mem>>
    %dma_wait3A_239 = tpu.memref_squeeze %dma_wait3A_238 : memref<1x!tpu.dma_semaphore, #tpu.memory_space<semaphore_mem>> -> memref<!tpu.dma_semaphore, #tpu.memory_space<semaphore_mem>>
    tpu.wait_indirect_dma semaphore(%dma_wait3A_239 : memref<!tpu.dma_semaphore, #tpu.memory_space<semaphore_mem>>) src(%dma_wait3A_237 : memref<512x128xf32, #tpu.memory_space<vmem_shared>>) dst(%dma_wait3A_231 : memref<64x128xf32, #tpu.memory_space<vmem>>)
    %add3A_240 = arith.constant 128 : i32
    %add3A_241 = arith.addi %mul3A_2, %add3A_240 : i32
    %dma_start3A_242 = arith.constant 2 : i32
    %dma_start3A_243 = arith.constant 2 : i32
    %dma_start3A_244 = arith.constant 0 : i32
    %dma_start3A_245 = arith.constant 0 : i32
    %dma_start3A_246 = tpu.memref_slice %arg6[%dma_start3A_242, %dma_start3A_244, %dma_start3A_245] : memref<8x64x128xf32, #tpu.memory_space<vmem>> -> memref<1x64x128xf32, #tpu.memory_space<vmem>>
    %dma_start3A_247 = tpu.memref_squeeze %dma_start3A_246 : memref<1x64x128xf32, #tpu.memory_space<vmem>> -> memref<64x128xf32, #tpu.memory_space<vmem>>
    %dma_start3A_248 = arith.constant 0 : i32
    %dma_start3A_249 = tpu.memref_slice %arg4[%add3A_241, %dma_start3A_248] : memref<16384x128xf32, #tpu.memory_space<hbm>> -> memref<64x128xf32, #tpu.memory_space<hbm>>
    %dma_start3A_250 = tpu.memref_slice %arg9[%dma_start3A_243] : memref<8x!tpu.dma_semaphore, #tpu.memory_space<semaphore_mem>> -> memref<1x!tpu.dma_semaphore, #tpu.memory_space<semaphore_mem>>
    %dma_start3A_251 = tpu.memref_squeeze %dma_start3A_250 : memref<1x!tpu.dma_semaphore, #tpu.memory_space<semaphore_mem>> -> memref<!tpu.dma_semaphore, #tpu.memory_space<semaphore_mem>>
    %dma_start3A_252 = arith.constant 0 : i32
    %dma_start3A_253 = tpu.memref_slice %arg4[%add3A_241, %dma_start3A_252] : memref<16384x128xf32, #tpu.memory_space<hbm>> -> memref<64x128xf32, #tpu.memory_space<hbm>>
    %dma_start3A_254 = arith.constant 0 : i32
    %dma_start3A_255 = arith.constant 0 : i32
    %dma_start3A_256 = tpu.memref_slice %arg6[%dma_start3A_242, %dma_start3A_254, %dma_start3A_255] : memref<8x64x128xf32, #tpu.memory_space<vmem>> -> memref<1x64x128xf32, #tpu.memory_space<vmem>>
    %dma_start3A_257 = tpu.memref_squeeze %dma_start3A_256 : memref<1x64x128xf32, #tpu.memory_space<vmem>> -> memref<64x128xf32, #tpu.memory_space<vmem>>
    tpu.enqueue_dma source(%dma_start3A_257 : memref<64x128xf32, #tpu.memory_space<vmem>>) target(%dma_start3A_253 : memref<64x128xf32, #tpu.memory_space<hbm>>) target_semaphore(%dma_start3A_251 : memref<!tpu.dma_semaphore, #tpu.memory_space<semaphore_mem>>)
    %dma_wait3A_258 = arith.constant 3 : i32
    %dma_wait3A_259 = arith.constant 3 : i32
    %dma_wait3A_260 = arith.constant 3 : i32
    %dma_wait3A_261 = arith.constant 0 : i32
    %dma_wait3A_262 = arith.constant 0 : i32
    %dma_wait3A_263 = tpu.memref_slice %arg6[%dma_wait3A_259, %dma_wait3A_261, %dma_wait3A_262] : memref<8x64x128xf32, #tpu.memory_space<vmem>> -> memref<1x64x128xf32, #tpu.memory_space<vmem>>
    %dma_wait3A_264 = tpu.memref_squeeze %dma_wait3A_263 : memref<1x64x128xf32, #tpu.memory_space<vmem>> -> memref<64x128xf32, #tpu.memory_space<vmem>>
    %dma_wait3A_265 = arith.constant 0 : i32
    %dma_wait3A_266 = tpu.memref_slice %arg5[%dma_wait3A_258, %dma_wait3A_265] : memref<8x64xi32, #tpu.memory_space<vmem>> -> memref<1x64xi32, #tpu.memory_space<vmem>>
    %dma_wait3A_267 = tpu.memref_squeeze %dma_wait3A_266 : memref<1x64xi32, #tpu.memory_space<vmem>> -> memref<64xi32, #tpu.memory_space<vmem>>
    %dma_wait3A_268 = arith.constant 0 : i32
    %dma_wait3A_269 = arith.constant 0 : i32
    %dma_wait3A_270 = tpu.memref_slice %arg7[%dma_wait3A_268, %dma_wait3A_269] : memref<512x128xf32, #tpu.memory_space<vmem_shared>> -> memref<512x128xf32, #tpu.memory_space<vmem_shared>>
    %dma_wait3A_271 = tpu.memref_slice %arg8[%dma_wait3A_260] : memref<8x!tpu.dma_semaphore, #tpu.memory_space<semaphore_mem>> -> memref<1x!tpu.dma_semaphore, #tpu.memory_space<semaphore_mem>>
    %dma_wait3A_272 = tpu.memref_squeeze %dma_wait3A_271 : memref<1x!tpu.dma_semaphore, #tpu.memory_space<semaphore_mem>> -> memref<!tpu.dma_semaphore, #tpu.memory_space<semaphore_mem>>
    tpu.wait_indirect_dma semaphore(%dma_wait3A_272 : memref<!tpu.dma_semaphore, #tpu.memory_space<semaphore_mem>>) src(%dma_wait3A_270 : memref<512x128xf32, #tpu.memory_space<vmem_shared>>) dst(%dma_wait3A_264 : memref<64x128xf32, #tpu.memory_space<vmem>>)
    %add3A_273 = arith.constant 192 : i32
    %add3A_274 = arith.addi %mul3A_2, %add3A_273 : i32
    %dma_start3A_275 = arith.constant 3 : i32
    %dma_start3A_276 = arith.constant 3 : i32
    %dma_start3A_277 = arith.constant 0 : i32
    %dma_start3A_278 = arith.constant 0 : i32
    %dma_start3A_279 = tpu.memref_slice %arg6[%dma_start3A_275, %dma_start3A_277, %dma_start3A_278] : memref<8x64x128xf32, #tpu.memory_space<vmem>> -> memref<1x64x128xf32, #tpu.memory_space<vmem>>
    %dma_start3A_280 = tpu.memref_squeeze %dma_start3A_279 : memref<1x64x128xf32, #tpu.memory_space<vmem>> -> memref<64x128xf32, #tpu.memory_space<vmem>>
    %dma_start3A_281 = arith.constant 0 : i32
    %dma_start3A_282 = tpu.memref_slice %arg4[%add3A_274, %dma_start3A_281] : memref<16384x128xf32, #tpu.memory_space<hbm>> -> memref<64x128xf32, #tpu.memory_space<hbm>>
    %dma_start3A_283 = tpu.memref_slice %arg9[%dma_start3A_276] : memref<8x!tpu.dma_semaphore, #tpu.memory_space<semaphore_mem>> -> memref<1x!tpu.dma_semaphore, #tpu.memory_space<semaphore_mem>>
    %dma_start3A_284 = tpu.memref_squeeze %dma_start3A_283 : memref<1x!tpu.dma_semaphore, #tpu.memory_space<semaphore_mem>> -> memref<!tpu.dma_semaphore, #tpu.memory_space<semaphore_mem>>
    %dma_start3A_285 = arith.constant 0 : i32
    %dma_start3A_286 = tpu.memref_slice %arg4[%add3A_274, %dma_start3A_285] : memref<16384x128xf32, #tpu.memory_space<hbm>> -> memref<64x128xf32, #tpu.memory_space<hbm>>
    %dma_start3A_287 = arith.constant 0 : i32
    %dma_start3A_288 = arith.constant 0 : i32
    %dma_start3A_289 = tpu.memref_slice %arg6[%dma_start3A_275, %dma_start3A_287, %dma_start3A_288] : memref<8x64x128xf32, #tpu.memory_space<vmem>> -> memref<1x64x128xf32, #tpu.memory_space<vmem>>
    %dma_start3A_290 = tpu.memref_squeeze %dma_start3A_289 : memref<1x64x128xf32, #tpu.memory_space<vmem>> -> memref<64x128xf32, #tpu.memory_space<vmem>>
    tpu.enqueue_dma source(%dma_start3A_290 : memref<64x128xf32, #tpu.memory_space<vmem>>) target(%dma_start3A_286 : memref<64x128xf32, #tpu.memory_space<hbm>>) target_semaphore(%dma_start3A_284 : memref<!tpu.dma_semaphore, #tpu.memory_space<semaphore_mem>>)
    %dma_wait3A_291 = arith.constant 4 : i32
    %dma_wait3A_292 = arith.constant 4 : i32
    %dma_wait3A_293 = arith.constant 4 : i32
    %dma_wait3A_294 = arith.constant 0 : i32
    %dma_wait3A_295 = arith.constant 0 : i32
    %dma_wait3A_296 = tpu.memref_slice %arg6[%dma_wait3A_292, %dma_wait3A_294, %dma_wait3A_295] : memref<8x64x128xf32, #tpu.memory_space<vmem>> -> memref<1x64x128xf32, #tpu.memory_space<vmem>>
    %dma_wait3A_297 = tpu.memref_squeeze %dma_wait3A_296 : memref<1x64x128xf32, #tpu.memory_space<vmem>> -> memref<64x128xf32, #tpu.memory_space<vmem>>
    %dma_wait3A_298 = arith.constant 0 : i32
    %dma_wait3A_299 = tpu.memref_slice %arg5[%dma_wait3A_291, %dma_wait3A_298] : memref<8x64xi32, #tpu.memory_space<vmem>> -> memref<1x64xi32, #tpu.memory_space<vmem>>
    %dma_wait3A_300 = tpu.memref_squeeze %dma_wait3A_299 : memref<1x64xi32, #tpu.memory_space<vmem>> -> memref<64xi32, #tpu.memory_space<vmem>>
    %dma_wait3A_301 = arith.constant 0 : i32
    %dma_wait3A_302 = arith.constant 0 : i32
    %dma_wait3A_303 = tpu.memref_slice %arg7[%dma_wait3A_301, %dma_wait3A_302] : memref<512x128xf32, #tpu.memory_space<vmem_shared>> -> memref<512x128xf32, #tpu.memory_space<vmem_shared>>
    %dma_wait3A_304 = tpu.memref_slice %arg8[%dma_wait3A_293] : memref<8x!tpu.dma_semaphore, #tpu.memory_space<semaphore_mem>> -> memref<1x!tpu.dma_semaphore, #tpu.memory_space<semaphore_mem>>
    %dma_wait3A_305 = tpu.memref_squeeze %dma_wait3A_304 : memref<1x!tpu.dma_semaphore, #tpu.memory_space<semaphore_mem>> -> memref<!tpu.dma_semaphore, #tpu.memory_space<semaphore_mem>>
    tpu.wait_indirect_dma semaphore(%dma_wait3A_305 : memref<!tpu.dma_semaphore, #tpu.memory_space<semaphore_mem>>) src(%dma_wait3A_303 : memref<512x128xf32, #tpu.memory_space<vmem_shared>>) dst(%dma_wait3A_297 : memref<64x128xf32, #tpu.memory_space<vmem>>)
    %add3A_306 = arith.constant 256 : i32
    %add3A_307 = arith.addi %mul3A_2, %add3A_306 : i32
    %dma_start3A_308 = arith.constant 4 : i32
    %dma_start3A_309 = arith.constant 4 : i32
    %dma_start3A_310 = arith.constant 0 : i32
    %dma_start3A_311 = arith.constant 0 : i32
    %dma_start3A_312 = tpu.memref_slice %arg6[%dma_start3A_308, %dma_start3A_310, %dma_start3A_311] : memref<8x64x128xf32, #tpu.memory_space<vmem>> -> memref<1x64x128xf32, #tpu.memory_space<vmem>>
    %dma_start3A_313 = tpu.memref_squeeze %dma_start3A_312 : memref<1x64x128xf32, #tpu.memory_space<vmem>> -> memref<64x128xf32, #tpu.memory_space<vmem>>
    %dma_start3A_314 = arith.constant 0 : i32
    %dma_start3A_315 = tpu.memref_slice %arg4[%add3A_307, %dma_start3A_314] : memref<16384x128xf32, #tpu.memory_space<hbm>> -> memref<64x128xf32, #tpu.memory_space<hbm>>
    %dma_start3A_316 = tpu.memref_slice %arg9[%dma_start3A_309] : memref<8x!tpu.dma_semaphore, #tpu.memory_space<semaphore_mem>> -> memref<1x!tpu.dma_semaphore, #tpu.memory_space<semaphore_mem>>
    %dma_start3A_317 = tpu.memref_squeeze %dma_start3A_316 : memref<1x!tpu.dma_semaphore, #tpu.memory_space<semaphore_mem>> -> memref<!tpu.dma_semaphore, #tpu.memory_space<semaphore_mem>>
    %dma_start3A_318 = arith.constant 0 : i32
    %dma_start3A_319 = tpu.memref_slice %arg4[%add3A_307, %dma_start3A_318] : memref<16384x128xf32, #tpu.memory_space<hbm>> -> memref<64x128xf32, #tpu.memory_space<hbm>>
    %dma_start3A_320 = arith.constant 0 : i32
    %dma_start3A_321 = arith.constant 0 : i32
    %dma_start3A_322 = tpu.memref_slice %arg6[%dma_start3A_308, %dma_start3A_320, %dma_start3A_321] : memref<8x64x128xf32, #tpu.memory_space<vmem>> -> memref<1x64x128xf32, #tpu.memory_space<vmem>>
    %dma_start3A_323 = tpu.memref_squeeze %dma_start3A_322 : memref<1x64x128xf32, #tpu.memory_space<vmem>> -> memref<64x128xf32, #tpu.memory_space<vmem>>
    tpu.enqueue_dma source(%dma_start3A_323 : memref<64x128xf32, #tpu.memory_space<vmem>>) target(%dma_start3A_319 : memref<64x128xf32, #tpu.memory_space<hbm>>) target_semaphore(%dma_start3A_317 : memref<!tpu.dma_semaphore, #tpu.memory_space<semaphore_mem>>)
    %dma_wait3A_324 = arith.constant 5 : i32
    %dma_wait3A_325 = arith.constant 5 : i32
    %dma_wait3A_326 = arith.constant 5 : i32
    %dma_wait3A_327 = arith.constant 0 : i32
    %dma_wait3A_328 = arith.constant 0 : i32
    %dma_wait3A_329 = tpu.memref_slice %arg6[%dma_wait3A_325, %dma_wait3A_327, %dma_wait3A_328] : memref<8x64x128xf32, #tpu.memory_space<vmem>> -> memref<1x64x128xf32, #tpu.memory_space<vmem>>
    %dma_wait3A_330 = tpu.memref_squeeze %dma_wait3A_329 : memref<1x64x128xf32, #tpu.memory_space<vmem>> -> memref<64x128xf32, #tpu.memory_space<vmem>>
    %dma_wait3A_331 = arith.constant 0 : i32
    %dma_wait3A_332 = tpu.memref_slice %arg5[%dma_wait3A_324, %dma_wait3A_331] : memref<8x64xi32, #tpu.memory_space<vmem>> -> memref<1x64xi32, #tpu.memory_space<vmem>>
    %dma_wait3A_333 = tpu.memref_squeeze %dma_wait3A_332 : memref<1x64xi32, #tpu.memory_space<vmem>> -> memref<64xi32, #tpu.memory_space<vmem>>
    %dma_wait3A_334 = arith.constant 0 : i32
    %dma_wait3A_335 = arith.constant 0 : i32
    %dma_wait3A_336 = tpu.memref_slice %arg7[%dma_wait3A_334, %dma_wait3A_335] : memref<512x128xf32, #tpu.memory_space<vmem_shared>> -> memref<512x128xf32, #tpu.memory_space<vmem_shared>>
    %dma_wait3A_337 = tpu.memref_slice %arg8[%dma_wait3A_326] : memref<8x!tpu.dma_semaphore, #tpu.memory_space<semaphore_mem>> -> memref<1x!tpu.dma_semaphore, #tpu.memory_space<semaphore_mem>>
    %dma_wait3A_338 = tpu.memref_squeeze %dma_wait3A_337 : memref<1x!tpu.dma_semaphore, #tpu.memory_space<semaphore_mem>> -> memref<!tpu.dma_semaphore, #tpu.memory_space<semaphore_mem>>
    tpu.wait_indirect_dma semaphore(%dma_wait3A_338 : memref<!tpu.dma_semaphore, #tpu.memory_space<semaphore_mem>>) src(%dma_wait3A_336 : memref<512x128xf32, #tpu.memory_space<vmem_shared>>) dst(%dma_wait3A_330 : memref<64x128xf32, #tpu.memory_space<vmem>>)
    %add3A_339 = arith.constant 320 : i32
    %add3A_340 = arith.addi %mul3A_2, %add3A_339 : i32
    %dma_start3A_341 = arith.constant 5 : i32
    %dma_start3A_342 = arith.constant 5 : i32
    %dma_start3A_343 = arith.constant 0 : i32
    %dma_start3A_344 = arith.constant 0 : i32
    %dma_start3A_345 = tpu.memref_slice %arg6[%dma_start3A_341, %dma_start3A_343, %dma_start3A_344] : memref<8x64x128xf32, #tpu.memory_space<vmem>> -> memref<1x64x128xf32, #tpu.memory_space<vmem>>
    %dma_start3A_346 = tpu.memref_squeeze %dma_start3A_345 : memref<1x64x128xf32, #tpu.memory_space<vmem>> -> memref<64x128xf32, #tpu.memory_space<vmem>>
    %dma_start3A_347 = arith.constant 0 : i32
    %dma_start3A_348 = tpu.memref_slice %arg4[%add3A_340, %dma_start3A_347] : memref<16384x128xf32, #tpu.memory_space<hbm>> -> memref<64x128xf32, #tpu.memory_space<hbm>>
    %dma_start3A_349 = tpu.memref_slice %arg9[%dma_start3A_342] : memref<8x!tpu.dma_semaphore, #tpu.memory_space<semaphore_mem>> -> memref<1x!tpu.dma_semaphore, #tpu.memory_space<semaphore_mem>>
    %dma_start3A_350 = tpu.memref_squeeze %dma_start3A_349 : memref<1x!tpu.dma_semaphore, #tpu.memory_space<semaphore_mem>> -> memref<!tpu.dma_semaphore, #tpu.memory_space<semaphore_mem>>
    %dma_start3A_351 = arith.constant 0 : i32
    %dma_start3A_352 = tpu.memref_slice %arg4[%add3A_340, %dma_start3A_351] : memref<16384x128xf32, #tpu.memory_space<hbm>> -> memref<64x128xf32, #tpu.memory_space<hbm>>
    %dma_start3A_353 = arith.constant 0 : i32
    %dma_start3A_354 = arith.constant 0 : i32
    %dma_start3A_355 = tpu.memref_slice %arg6[%dma_start3A_341, %dma_start3A_353, %dma_start3A_354] : memref<8x64x128xf32, #tpu.memory_space<vmem>> -> memref<1x64x128xf32, #tpu.memory_space<vmem>>
    %dma_start3A_356 = tpu.memref_squeeze %dma_start3A_355 : memref<1x64x128xf32, #tpu.memory_space<vmem>> -> memref<64x128xf32, #tpu.memory_space<vmem>>
    tpu.enqueue_dma source(%dma_start3A_356 : memref<64x128xf32, #tpu.memory_space<vmem>>) target(%dma_start3A_352 : memref<64x128xf32, #tpu.memory_space<hbm>>) target_semaphore(%dma_start3A_350 : memref<!tpu.dma_semaphore, #tpu.memory_space<semaphore_mem>>)
    %dma_wait3A_357 = arith.constant 6 : i32
    %dma_wait3A_358 = arith.constant 6 : i32
    %dma_wait3A_359 = arith.constant 6 : i32
    %dma_wait3A_360 = arith.constant 0 : i32
    %dma_wait3A_361 = arith.constant 0 : i32
    %dma_wait3A_362 = tpu.memref_slice %arg6[%dma_wait3A_358, %dma_wait3A_360, %dma_wait3A_361] : memref<8x64x128xf32, #tpu.memory_space<vmem>> -> memref<1x64x128xf32, #tpu.memory_space<vmem>>
    %dma_wait3A_363 = tpu.memref_squeeze %dma_wait3A_362 : memref<1x64x128xf32, #tpu.memory_space<vmem>> -> memref<64x128xf32, #tpu.memory_space<vmem>>
    %dma_wait3A_364 = arith.constant 0 : i32
    %dma_wait3A_365 = tpu.memref_slice %arg5[%dma_wait3A_357, %dma_wait3A_364] : memref<8x64xi32, #tpu.memory_space<vmem>> -> memref<1x64xi32, #tpu.memory_space<vmem>>
    %dma_wait3A_366 = tpu.memref_squeeze %dma_wait3A_365 : memref<1x64xi32, #tpu.memory_space<vmem>> -> memref<64xi32, #tpu.memory_space<vmem>>
    %dma_wait3A_367 = arith.constant 0 : i32
    %dma_wait3A_368 = arith.constant 0 : i32
    %dma_wait3A_369 = tpu.memref_slice %arg7[%dma_wait3A_367, %dma_wait3A_368] : memref<512x128xf32, #tpu.memory_space<vmem_shared>> -> memref<512x128xf32, #tpu.memory_space<vmem_shared>>
    %dma_wait3A_370 = tpu.memref_slice %arg8[%dma_wait3A_359] : memref<8x!tpu.dma_semaphore, #tpu.memory_space<semaphore_mem>> -> memref<1x!tpu.dma_semaphore, #tpu.memory_space<semaphore_mem>>
    %dma_wait3A_371 = tpu.memref_squeeze %dma_wait3A_370 : memref<1x!tpu.dma_semaphore, #tpu.memory_space<semaphore_mem>> -> memref<!tpu.dma_semaphore, #tpu.memory_space<semaphore_mem>>
    tpu.wait_indirect_dma semaphore(%dma_wait3A_371 : memref<!tpu.dma_semaphore, #tpu.memory_space<semaphore_mem>>) src(%dma_wait3A_369 : memref<512x128xf32, #tpu.memory_space<vmem_shared>>) dst(%dma_wait3A_363 : memref<64x128xf32, #tpu.memory_space<vmem>>)
    %add3A_372 = arith.constant 384 : i32
    %add3A_373 = arith.addi %mul3A_2, %add3A_372 : i32
    %dma_start3A_374 = arith.constant 6 : i32
    %dma_start3A_375 = arith.constant 6 : i32
    %dma_start3A_376 = arith.constant 0 : i32
    %dma_start3A_377 = arith.constant 0 : i32
    %dma_start3A_378 = tpu.memref_slice %arg6[%dma_start3A_374, %dma_start3A_376, %dma_start3A_377] : memref<8x64x128xf32, #tpu.memory_space<vmem>> -> memref<1x64x128xf32, #tpu.memory_space<vmem>>
    %dma_start3A_379 = tpu.memref_squeeze %dma_start3A_378 : memref<1x64x128xf32, #tpu.memory_space<vmem>> -> memref<64x128xf32, #tpu.memory_space<vmem>>
    %dma_start3A_380 = arith.constant 0 : i32
    %dma_start3A_381 = tpu.memref_slice %arg4[%add3A_373, %dma_start3A_380] : memref<16384x128xf32, #tpu.memory_space<hbm>> -> memref<64x128xf32, #tpu.memory_space<hbm>>
    %dma_start3A_382 = tpu.memref_slice %arg9[%dma_start3A_375] : memref<8x!tpu.dma_semaphore, #tpu.memory_space<semaphore_mem>> -> memref<1x!tpu.dma_semaphore, #tpu.memory_space<semaphore_mem>>
    %dma_start3A_383 = tpu.memref_squeeze %dma_start3A_382 : memref<1x!tpu.dma_semaphore, #tpu.memory_space<semaphore_mem>> -> memref<!tpu.dma_semaphore, #tpu.memory_space<semaphore_mem>>
    %dma_start3A_384 = arith.constant 0 : i32
    %dma_start3A_385 = tpu.memref_slice %arg4[%add3A_373, %dma_start3A_384] : memref<16384x128xf32, #tpu.memory_space<hbm>> -> memref<64x128xf32, #tpu.memory_space<hbm>>
    %dma_start3A_386 = arith.constant 0 : i32
    %dma_start3A_387 = arith.constant 0 : i32
    %dma_start3A_388 = tpu.memref_slice %arg6[%dma_start3A_374, %dma_start3A_386, %dma_start3A_387] : memref<8x64x128xf32, #tpu.memory_space<vmem>> -> memref<1x64x128xf32, #tpu.memory_space<vmem>>
    %dma_start3A_389 = tpu.memref_squeeze %dma_start3A_388 : memref<1x64x128xf32, #tpu.memory_space<vmem>> -> memref<64x128xf32, #tpu.memory_space<vmem>>
    tpu.enqueue_dma source(%dma_start3A_389 : memref<64x128xf32, #tpu.memory_space<vmem>>) target(%dma_start3A_385 : memref<64x128xf32, #tpu.memory_space<hbm>>) target_semaphore(%dma_start3A_383 : memref<!tpu.dma_semaphore, #tpu.memory_space<semaphore_mem>>)
    %dma_wait3A_390 = arith.constant 7 : i32
    %dma_wait3A_391 = arith.constant 7 : i32
    %dma_wait3A_392 = arith.constant 7 : i32
    %dma_wait3A_393 = arith.constant 0 : i32
    %dma_wait3A_394 = arith.constant 0 : i32
    %dma_wait3A_395 = tpu.memref_slice %arg6[%dma_wait3A_391, %dma_wait3A_393, %dma_wait3A_394] : memref<8x64x128xf32, #tpu.memory_space<vmem>> -> memref<1x64x128xf32, #tpu.memory_space<vmem>>
    %dma_wait3A_396 = tpu.memref_squeeze %dma_wait3A_395 : memref<1x64x128xf32, #tpu.memory_space<vmem>> -> memref<64x128xf32, #tpu.memory_space<vmem>>
    %dma_wait3A_397 = arith.constant 0 : i32
    %dma_wait3A_398 = tpu.memref_slice %arg5[%dma_wait3A_390, %dma_wait3A_397] : memref<8x64xi32, #tpu.memory_space<vmem>> -> memref<1x64xi32, #tpu.memory_space<vmem>>
    %dma_wait3A_399 = tpu.memref_squeeze %dma_wait3A_398 : memref<1x64xi32, #tpu.memory_space<vmem>> -> memref<64xi32, #tpu.memory_space<vmem>>
    %dma_wait3A_400 = arith.constant 0 : i32
    %dma_wait3A_401 = arith.constant 0 : i32
    %dma_wait3A_402 = tpu.memref_slice %arg7[%dma_wait3A_400, %dma_wait3A_401] : memref<512x128xf32, #tpu.memory_space<vmem_shared>> -> memref<512x128xf32, #tpu.memory_space<vmem_shared>>
    %dma_wait3A_403 = tpu.memref_slice %arg8[%dma_wait3A_392] : memref<8x!tpu.dma_semaphore, #tpu.memory_space<semaphore_mem>> -> memref<1x!tpu.dma_semaphore, #tpu.memory_space<semaphore_mem>>
    %dma_wait3A_404 = tpu.memref_squeeze %dma_wait3A_403 : memref<1x!tpu.dma_semaphore, #tpu.memory_space<semaphore_mem>> -> memref<!tpu.dma_semaphore, #tpu.memory_space<semaphore_mem>>
    tpu.wait_indirect_dma semaphore(%dma_wait3A_404 : memref<!tpu.dma_semaphore, #tpu.memory_space<semaphore_mem>>) src(%dma_wait3A_402 : memref<512x128xf32, #tpu.memory_space<vmem_shared>>) dst(%dma_wait3A_396 : memref<64x128xf32, #tpu.memory_space<vmem>>)
    %add3A_405 = arith.constant 448 : i32
    %add3A_406 = arith.addi %mul3A_2, %add3A_405 : i32
    %dma_start3A_407 = arith.constant 7 : i32
    %dma_start3A_408 = arith.constant 7 : i32
    %dma_start3A_409 = arith.constant 0 : i32
    %dma_start3A_410 = arith.constant 0 : i32
    %dma_start3A_411 = tpu.memref_slice %arg6[%dma_start3A_407, %dma_start3A_409, %dma_start3A_410] : memref<8x64x128xf32, #tpu.memory_space<vmem>> -> memref<1x64x128xf32, #tpu.memory_space<vmem>>
    %dma_start3A_412 = tpu.memref_squeeze %dma_start3A_411 : memref<1x64x128xf32, #tpu.memory_space<vmem>> -> memref<64x128xf32, #tpu.memory_space<vmem>>
    %dma_start3A_413 = arith.constant 0 : i32
    %dma_start3A_414 = tpu.memref_slice %arg4[%add3A_406, %dma_start3A_413] : memref<16384x128xf32, #tpu.memory_space<hbm>> -> memref<64x128xf32, #tpu.memory_space<hbm>>
    %dma_start3A_415 = tpu.memref_slice %arg9[%dma_start3A_408] : memref<8x!tpu.dma_semaphore, #tpu.memory_space<semaphore_mem>> -> memref<1x!tpu.dma_semaphore, #tpu.memory_space<semaphore_mem>>
    %dma_start3A_416 = tpu.memref_squeeze %dma_start3A_415 : memref<1x!tpu.dma_semaphore, #tpu.memory_space<semaphore_mem>> -> memref<!tpu.dma_semaphore, #tpu.memory_space<semaphore_mem>>
    %dma_start3A_417 = arith.constant 0 : i32
    %dma_start3A_418 = tpu.memref_slice %arg4[%add3A_406, %dma_start3A_417] : memref<16384x128xf32, #tpu.memory_space<hbm>> -> memref<64x128xf32, #tpu.memory_space<hbm>>
    %dma_start3A_419 = arith.constant 0 : i32
    %dma_start3A_420 = arith.constant 0 : i32
    %dma_start3A_421 = tpu.memref_slice %arg6[%dma_start3A_407, %dma_start3A_419, %dma_start3A_420] : memref<8x64x128xf32, #tpu.memory_space<vmem>> -> memref<1x64x128xf32, #tpu.memory_space<vmem>>
    %dma_start3A_422 = tpu.memref_squeeze %dma_start3A_421 : memref<1x64x128xf32, #tpu.memory_space<vmem>> -> memref<64x128xf32, #tpu.memory_space<vmem>>
    tpu.enqueue_dma source(%dma_start3A_422 : memref<64x128xf32, #tpu.memory_space<vmem>>) target(%dma_start3A_418 : memref<64x128xf32, #tpu.memory_space<hbm>>) target_semaphore(%dma_start3A_416 : memref<!tpu.dma_semaphore, #tpu.memory_space<semaphore_mem>>)
    %dma_wait3A_423 = arith.constant 0 : i32
    %dma_wait3A_424 = arith.constant 0 : i32
    %dma_wait3A_425 = arith.constant 0 : i32
    %dma_wait3A_426 = arith.constant 0 : i32
    %dma_wait3A_427 = tpu.memref_slice %arg6[%dma_wait3A_423, %dma_wait3A_425, %dma_wait3A_426] : memref<8x64x128xf32, #tpu.memory_space<vmem>> -> memref<1x64x128xf32, #tpu.memory_space<vmem>>
    %dma_wait3A_428 = tpu.memref_squeeze %dma_wait3A_427 : memref<1x64x128xf32, #tpu.memory_space<vmem>> -> memref<64x128xf32, #tpu.memory_space<vmem>>
    %dma_wait3A_429 = arith.constant 0 : i32
    %dma_wait3A_430 = tpu.memref_slice %arg4[%add3A_175, %dma_wait3A_429] : memref<16384x128xf32, #tpu.memory_space<hbm>> -> memref<64x128xf32, #tpu.memory_space<hbm>>
    %dma_wait3A_431 = tpu.memref_slice %arg9[%dma_wait3A_424] : memref<8x!tpu.dma_semaphore, #tpu.memory_space<semaphore_mem>> -> memref<1x!tpu.dma_semaphore, #tpu.memory_space<semaphore_mem>>
    %dma_wait3A_432 = tpu.memref_squeeze %dma_wait3A_431 : memref<1x!tpu.dma_semaphore, #tpu.memory_space<semaphore_mem>> -> memref<!tpu.dma_semaphore, #tpu.memory_space<semaphore_mem>>
    %dma_wait3A_433 = arith.constant 0 : i32
    %dma_wait3A_434 = tpu.memref_slice %arg4[%add3A_175, %dma_wait3A_433] : memref<16384x128xf32, #tpu.memory_space<hbm>> -> memref<64x128xf32, #tpu.memory_space<hbm>>
    %dma_wait3A_435 = arith.constant 0 : i32
    %dma_wait3A_436 = arith.constant 0 : i32
    %dma_wait3A_437 = tpu.memref_slice %arg6[%dma_wait3A_423, %dma_wait3A_435, %dma_wait3A_436] : memref<8x64x128xf32, #tpu.memory_space<vmem>> -> memref<1x64x128xf32, #tpu.memory_space<vmem>>
    %dma_wait3A_438 = tpu.memref_squeeze %dma_wait3A_437 : memref<1x64x128xf32, #tpu.memory_space<vmem>> -> memref<64x128xf32, #tpu.memory_space<vmem>>
    tpu.wait_dma2 semaphore(%dma_wait3A_432 : memref<!tpu.dma_semaphore, #tpu.memory_space<semaphore_mem>>) src(%dma_wait3A_438 : memref<64x128xf32, #tpu.memory_space<vmem>>) dst(%dma_wait3A_434 : memref<64x128xf32, #tpu.memory_space<hbm>>)
    %dma_wait3A_439 = arith.constant 1 : i32
    %dma_wait3A_440 = arith.constant 1 : i32
    %dma_wait3A_441 = arith.constant 0 : i32
    %dma_wait3A_442 = arith.constant 0 : i32
    %dma_wait3A_443 = tpu.memref_slice %arg6[%dma_wait3A_439, %dma_wait3A_441, %dma_wait3A_442] : memref<8x64x128xf32, #tpu.memory_space<vmem>> -> memref<1x64x128xf32, #tpu.memory_space<vmem>>
    %dma_wait3A_444 = tpu.memref_squeeze %dma_wait3A_443 : memref<1x64x128xf32, #tpu.memory_space<vmem>> -> memref<64x128xf32, #tpu.memory_space<vmem>>
    %dma_wait3A_445 = arith.constant 0 : i32
    %dma_wait3A_446 = tpu.memref_slice %arg4[%add3A_208, %dma_wait3A_445] : memref<16384x128xf32, #tpu.memory_space<hbm>> -> memref<64x128xf32, #tpu.memory_space<hbm>>
    %dma_wait3A_447 = tpu.memref_slice %arg9[%dma_wait3A_440] : memref<8x!tpu.dma_semaphore, #tpu.memory_space<semaphore_mem>> -> memref<1x!tpu.dma_semaphore, #tpu.memory_space<semaphore_mem>>
    %dma_wait3A_448 = tpu.memref_squeeze %dma_wait3A_447 : memref<1x!tpu.dma_semaphore, #tpu.memory_space<semaphore_mem>> -> memref<!tpu.dma_semaphore, #tpu.memory_space<semaphore_mem>>
    %dma_wait3A_449 = arith.constant 0 : i32
    %dma_wait3A_450 = tpu.memref_slice %arg4[%add3A_208, %dma_wait3A_449] : memref<16384x128xf32, #tpu.memory_space<hbm>> -> memref<64x128xf32, #tpu.memory_space<hbm>>
    %dma_wait3A_451 = arith.constant 0 : i32
    %dma_wait3A_452 = arith.constant 0 : i32
    %dma_wait3A_453 = tpu.memref_slice %arg6[%dma_wait3A_439, %dma_wait3A_451, %dma_wait3A_452] : memref<8x64x128xf32, #tpu.memory_space<vmem>> -> memref<1x64x128xf32, #tpu.memory_space<vmem>>
    %dma_wait3A_454 = tpu.memref_squeeze %dma_wait3A_453 : memref<1x64x128xf32, #tpu.memory_space<vmem>> -> memref<64x128xf32, #tpu.memory_space<vmem>>
    tpu.wait_dma2 semaphore(%dma_wait3A_448 : memref<!tpu.dma_semaphore, #tpu.memory_space<semaphore_mem>>) src(%dma_wait3A_454 : memref<64x128xf32, #tpu.memory_space<vmem>>) dst(%dma_wait3A_450 : memref<64x128xf32, #tpu.memory_space<hbm>>)
    %dma_wait3A_455 = arith.constant 2 : i32
    %dma_wait3A_456 = arith.constant 2 : i32
    %dma_wait3A_457 = arith.constant 0 : i32
    %dma_wait3A_458 = arith.constant 0 : i32
    %dma_wait3A_459 = tpu.memref_slice %arg6[%dma_wait3A_455, %dma_wait3A_457, %dma_wait3A_458] : memref<8x64x128xf32, #tpu.memory_space<vmem>> -> memref<1x64x128xf32, #tpu.memory_space<vmem>>
    %dma_wait3A_460 = tpu.memref_squeeze %dma_wait3A_459 : memref<1x64x128xf32, #tpu.memory_space<vmem>> -> memref<64x128xf32, #tpu.memory_space<vmem>>
    %dma_wait3A_461 = arith.constant 0 : i32
    %dma_wait3A_462 = tpu.memref_slice %arg4[%add3A_241, %dma_wait3A_461] : memref<16384x128xf32, #tpu.memory_space<hbm>> -> memref<64x128xf32, #tpu.memory_space<hbm>>
    %dma_wait3A_463 = tpu.memref_slice %arg9[%dma_wait3A_456] : memref<8x!tpu.dma_semaphore, #tpu.memory_space<semaphore_mem>> -> memref<1x!tpu.dma_semaphore, #tpu.memory_space<semaphore_mem>>
    %dma_wait3A_464 = tpu.memref_squeeze %dma_wait3A_463 : memref<1x!tpu.dma_semaphore, #tpu.memory_space<semaphore_mem>> -> memref<!tpu.dma_semaphore, #tpu.memory_space<semaphore_mem>>
    %dma_wait3A_465 = arith.constant 0 : i32
    %dma_wait3A_466 = tpu.memref_slice %arg4[%add3A_241, %dma_wait3A_465] : memref<16384x128xf32, #tpu.memory_space<hbm>> -> memref<64x128xf32, #tpu.memory_space<hbm>>
    %dma_wait3A_467 = arith.constant 0 : i32
    %dma_wait3A_468 = arith.constant 0 : i32
    %dma_wait3A_469 = tpu.memref_slice %arg6[%dma_wait3A_455, %dma_wait3A_467, %dma_wait3A_468] : memref<8x64x128xf32, #tpu.memory_space<vmem>> -> memref<1x64x128xf32, #tpu.memory_space<vmem>>
    %dma_wait3A_470 = tpu.memref_squeeze %dma_wait3A_469 : memref<1x64x128xf32, #tpu.memory_space<vmem>> -> memref<64x128xf32, #tpu.memory_space<vmem>>
    tpu.wait_dma2 semaphore(%dma_wait3A_464 : memref<!tpu.dma_semaphore, #tpu.memory_space<semaphore_mem>>) src(%dma_wait3A_470 : memref<64x128xf32, #tpu.memory_space<vmem>>) dst(%dma_wait3A_466 : memref<64x128xf32, #tpu.memory_space<hbm>>)
    %dma_wait3A_471 = arith.constant 3 : i32
    %dma_wait3A_472 = arith.constant 3 : i32
    %dma_wait3A_473 = arith.constant 0 : i32
    %dma_wait3A_474 = arith.constant 0 : i32
    %dma_wait3A_475 = tpu.memref_slice %arg6[%dma_wait3A_471, %dma_wait3A_473, %dma_wait3A_474] : memref<8x64x128xf32, #tpu.memory_space<vmem>> -> memref<1x64x128xf32, #tpu.memory_space<vmem>>
    %dma_wait3A_476 = tpu.memref_squeeze %dma_wait3A_475 : memref<1x64x128xf32, #tpu.memory_space<vmem>> -> memref<64x128xf32, #tpu.memory_space<vmem>>
    %dma_wait3A_477 = arith.constant 0 : i32
    %dma_wait3A_478 = tpu.memref_slice %arg4[%add3A_274, %dma_wait3A_477] : memref<16384x128xf32, #tpu.memory_space<hbm>> -> memref<64x128xf32, #tpu.memory_space<hbm>>
    %dma_wait3A_479 = tpu.memref_slice %arg9[%dma_wait3A_472] : memref<8x!tpu.dma_semaphore, #tpu.memory_space<semaphore_mem>> -> memref<1x!tpu.dma_semaphore, #tpu.memory_space<semaphore_mem>>
    %dma_wait3A_480 = tpu.memref_squeeze %dma_wait3A_479 : memref<1x!tpu.dma_semaphore, #tpu.memory_space<semaphore_mem>> -> memref<!tpu.dma_semaphore, #tpu.memory_space<semaphore_mem>>
    %dma_wait3A_481 = arith.constant 0 : i32
    %dma_wait3A_482 = tpu.memref_slice %arg4[%add3A_274, %dma_wait3A_481] : memref<16384x128xf32, #tpu.memory_space<hbm>> -> memref<64x128xf32, #tpu.memory_space<hbm>>
    %dma_wait3A_483 = arith.constant 0 : i32
    %dma_wait3A_484 = arith.constant 0 : i32
    %dma_wait3A_485 = tpu.memref_slice %arg6[%dma_wait3A_471, %dma_wait3A_483, %dma_wait3A_484] : memref<8x64x128xf32, #tpu.memory_space<vmem>> -> memref<1x64x128xf32, #tpu.memory_space<vmem>>
    %dma_wait3A_486 = tpu.memref_squeeze %dma_wait3A_485 : memref<1x64x128xf32, #tpu.memory_space<vmem>> -> memref<64x128xf32, #tpu.memory_space<vmem>>
    tpu.wait_dma2 semaphore(%dma_wait3A_480 : memref<!tpu.dma_semaphore, #tpu.memory_space<semaphore_mem>>) src(%dma_wait3A_486 : memref<64x128xf32, #tpu.memory_space<vmem>>) dst(%dma_wait3A_482 : memref<64x128xf32, #tpu.memory_space<hbm>>)
    %dma_wait3A_487 = arith.constant 4 : i32
    %dma_wait3A_488 = arith.constant 4 : i32
    %dma_wait3A_489 = arith.constant 0 : i32
    %dma_wait3A_490 = arith.constant 0 : i32
    %dma_wait3A_491 = tpu.memref_slice %arg6[%dma_wait3A_487, %dma_wait3A_489, %dma_wait3A_490] : memref<8x64x128xf32, #tpu.memory_space<vmem>> -> memref<1x64x128xf32, #tpu.memory_space<vmem>>
    %dma_wait3A_492 = tpu.memref_squeeze %dma_wait3A_491 : memref<1x64x128xf32, #tpu.memory_space<vmem>> -> memref<64x128xf32, #tpu.memory_space<vmem>>
    %dma_wait3A_493 = arith.constant 0 : i32
    %dma_wait3A_494 = tpu.memref_slice %arg4[%add3A_307, %dma_wait3A_493] : memref<16384x128xf32, #tpu.memory_space<hbm>> -> memref<64x128xf32, #tpu.memory_space<hbm>>
    %dma_wait3A_495 = tpu.memref_slice %arg9[%dma_wait3A_488] : memref<8x!tpu.dma_semaphore, #tpu.memory_space<semaphore_mem>> -> memref<1x!tpu.dma_semaphore, #tpu.memory_space<semaphore_mem>>
    %dma_wait3A_496 = tpu.memref_squeeze %dma_wait3A_495 : memref<1x!tpu.dma_semaphore, #tpu.memory_space<semaphore_mem>> -> memref<!tpu.dma_semaphore, #tpu.memory_space<semaphore_mem>>
    %dma_wait3A_497 = arith.constant 0 : i32
    %dma_wait3A_498 = tpu.memref_slice %arg4[%add3A_307, %dma_wait3A_497] : memref<16384x128xf32, #tpu.memory_space<hbm>> -> memref<64x128xf32, #tpu.memory_space<hbm>>
    %dma_wait3A_499 = arith.constant 0 : i32
    %dma_wait3A_500 = arith.constant 0 : i32
    %dma_wait3A_501 = tpu.memref_slice %arg6[%dma_wait3A_487, %dma_wait3A_499, %dma_wait3A_500] : memref<8x64x128xf32, #tpu.memory_space<vmem>> -> memref<1x64x128xf32, #tpu.memory_space<vmem>>
    %dma_wait3A_502 = tpu.memref_squeeze %dma_wait3A_501 : memref<1x64x128xf32, #tpu.memory_space<vmem>> -> memref<64x128xf32, #tpu.memory_space<vmem>>
    tpu.wait_dma2 semaphore(%dma_wait3A_496 : memref<!tpu.dma_semaphore, #tpu.memory_space<semaphore_mem>>) src(%dma_wait3A_502 : memref<64x128xf32, #tpu.memory_space<vmem>>) dst(%dma_wait3A_498 : memref<64x128xf32, #tpu.memory_space<hbm>>)
    %dma_wait3A_503 = arith.constant 5 : i32
    %dma_wait3A_504 = arith.constant 5 : i32
    %dma_wait3A_505 = arith.constant 0 : i32
    %dma_wait3A_506 = arith.constant 0 : i32
    %dma_wait3A_507 = tpu.memref_slice %arg6[%dma_wait3A_503, %dma_wait3A_505, %dma_wait3A_506] : memref<8x64x128xf32, #tpu.memory_space<vmem>> -> memref<1x64x128xf32, #tpu.memory_space<vmem>>
    %dma_wait3A_508 = tpu.memref_squeeze %dma_wait3A_507 : memref<1x64x128xf32, #tpu.memory_space<vmem>> -> memref<64x128xf32, #tpu.memory_space<vmem>>
    %dma_wait3A_509 = arith.constant 0 : i32
    %dma_wait3A_510 = tpu.memref_slice %arg4[%add3A_340, %dma_wait3A_509] : memref<16384x128xf32, #tpu.memory_space<hbm>> -> memref<64x128xf32, #tpu.memory_space<hbm>>
    %dma_wait3A_511 = tpu.memref_slice %arg9[%dma_wait3A_504] : memref<8x!tpu.dma_semaphore, #tpu.memory_space<semaphore_mem>> -> memref<1x!tpu.dma_semaphore, #tpu.memory_space<semaphore_mem>>
    %dma_wait3A_512 = tpu.memref_squeeze %dma_wait3A_511 : memref<1x!tpu.dma_semaphore, #tpu.memory_space<semaphore_mem>> -> memref<!tpu.dma_semaphore, #tpu.memory_space<semaphore_mem>>
    %dma_wait3A_513 = arith.constant 0 : i32
    %dma_wait3A_514 = tpu.memref_slice %arg4[%add3A_340, %dma_wait3A_513] : memref<16384x128xf32, #tpu.memory_space<hbm>> -> memref<64x128xf32, #tpu.memory_space<hbm>>
    %dma_wait3A_515 = arith.constant 0 : i32
    %dma_wait3A_516 = arith.constant 0 : i32
    %dma_wait3A_517 = tpu.memref_slice %arg6[%dma_wait3A_503, %dma_wait3A_515, %dma_wait3A_516] : memref<8x64x128xf32, #tpu.memory_space<vmem>> -> memref<1x64x128xf32, #tpu.memory_space<vmem>>
    %dma_wait3A_518 = tpu.memref_squeeze %dma_wait3A_517 : memref<1x64x128xf32, #tpu.memory_space<vmem>> -> memref<64x128xf32, #tpu.memory_space<vmem>>
    tpu.wait_dma2 semaphore(%dma_wait3A_512 : memref<!tpu.dma_semaphore, #tpu.memory_space<semaphore_mem>>) src(%dma_wait3A_518 : memref<64x128xf32, #tpu.memory_space<vmem>>) dst(%dma_wait3A_514 : memref<64x128xf32, #tpu.memory_space<hbm>>)
    %dma_wait3A_519 = arith.constant 6 : i32
    %dma_wait3A_520 = arith.constant 6 : i32
    %dma_wait3A_521 = arith.constant 0 : i32
    %dma_wait3A_522 = arith.constant 0 : i32
    %dma_wait3A_523 = tpu.memref_slice %arg6[%dma_wait3A_519, %dma_wait3A_521, %dma_wait3A_522] : memref<8x64x128xf32, #tpu.memory_space<vmem>> -> memref<1x64x128xf32, #tpu.memory_space<vmem>>
    %dma_wait3A_524 = tpu.memref_squeeze %dma_wait3A_523 : memref<1x64x128xf32, #tpu.memory_space<vmem>> -> memref<64x128xf32, #tpu.memory_space<vmem>>
    %dma_wait3A_525 = arith.constant 0 : i32
    %dma_wait3A_526 = tpu.memref_slice %arg4[%add3A_373, %dma_wait3A_525] : memref<16384x128xf32, #tpu.memory_space<hbm>> -> memref<64x128xf32, #tpu.memory_space<hbm>>
    %dma_wait3A_527 = tpu.memref_slice %arg9[%dma_wait3A_520] : memref<8x!tpu.dma_semaphore, #tpu.memory_space<semaphore_mem>> -> memref<1x!tpu.dma_semaphore, #tpu.memory_space<semaphore_mem>>
    %dma_wait3A_528 = tpu.memref_squeeze %dma_wait3A_527 : memref<1x!tpu.dma_semaphore, #tpu.memory_space<semaphore_mem>> -> memref<!tpu.dma_semaphore, #tpu.memory_space<semaphore_mem>>
    %dma_wait3A_529 = arith.constant 0 : i32
    %dma_wait3A_530 = tpu.memref_slice %arg4[%add3A_373, %dma_wait3A_529] : memref<16384x128xf32, #tpu.memory_space<hbm>> -> memref<64x128xf32, #tpu.memory_space<hbm>>
    %dma_wait3A_531 = arith.constant 0 : i32
    %dma_wait3A_532 = arith.constant 0 : i32
    %dma_wait3A_533 = tpu.memref_slice %arg6[%dma_wait3A_519, %dma_wait3A_531, %dma_wait3A_532] : memref<8x64x128xf32, #tpu.memory_space<vmem>> -> memref<1x64x128xf32, #tpu.memory_space<vmem>>
    %dma_wait3A_534 = tpu.memref_squeeze %dma_wait3A_533 : memref<1x64x128xf32, #tpu.memory_space<vmem>> -> memref<64x128xf32, #tpu.memory_space<vmem>>
    tpu.wait_dma2 semaphore(%dma_wait3A_528 : memref<!tpu.dma_semaphore, #tpu.memory_space<semaphore_mem>>) src(%dma_wait3A_534 : memref<64x128xf32, #tpu.memory_space<vmem>>) dst(%dma_wait3A_530 : memref<64x128xf32, #tpu.memory_space<hbm>>)
    %dma_wait3A_535 = arith.constant 7 : i32
    %dma_wait3A_536 = arith.constant 7 : i32
    %dma_wait3A_537 = arith.constant 0 : i32
    %dma_wait3A_538 = arith.constant 0 : i32
    %dma_wait3A_539 = tpu.memref_slice %arg6[%dma_wait3A_535, %dma_wait3A_537, %dma_wait3A_538] : memref<8x64x128xf32, #tpu.memory_space<vmem>> -> memref<1x64x128xf32, #tpu.memory_space<vmem>>
    %dma_wait3A_540 = tpu.memref_squeeze %dma_wait3A_539 : memref<1x64x128xf32, #tpu.memory_space<vmem>> -> memref<64x128xf32, #tpu.memory_space<vmem>>
    %dma_wait3A_541 = arith.constant 0 : i32
    %dma_wait3A_542 = tpu.memref_slice %arg4[%add3A_406, %dma_wait3A_541] : memref<16384x128xf32, #tpu.memory_space<hbm>> -> memref<64x128xf32, #tpu.memory_space<hbm>>
    %dma_wait3A_543 = tpu.memref_slice %arg9[%dma_wait3A_536] : memref<8x!tpu.dma_semaphore, #tpu.memory_space<semaphore_mem>> -> memref<1x!tpu.dma_semaphore, #tpu.memory_space<semaphore_mem>>
    %dma_wait3A_544 = tpu.memref_squeeze %dma_wait3A_543 : memref<1x!tpu.dma_semaphore, #tpu.memory_space<semaphore_mem>> -> memref<!tpu.dma_semaphore, #tpu.memory_space<semaphore_mem>>
    %dma_wait3A_545 = arith.constant 0 : i32
    %dma_wait3A_546 = tpu.memref_slice %arg4[%add3A_406, %dma_wait3A_545] : memref<16384x128xf32, #tpu.memory_space<hbm>> -> memref<64x128xf32, #tpu.memory_space<hbm>>
    %dma_wait3A_547 = arith.constant 0 : i32
    %dma_wait3A_548 = arith.constant 0 : i32
    %dma_wait3A_549 = tpu.memref_slice %arg6[%dma_wait3A_535, %dma_wait3A_547, %dma_wait3A_548] : memref<8x64x128xf32, #tpu.memory_space<vmem>> -> memref<1x64x128xf32, #tpu.memory_space<vmem>>
    %dma_wait3A_550 = tpu.memref_squeeze %dma_wait3A_549 : memref<1x64x128xf32, #tpu.memory_space<vmem>> -> memref<64x128xf32, #tpu.memory_space<vmem>>
    tpu.wait_dma2 semaphore(%dma_wait3A_544 : memref<!tpu.dma_semaphore, #tpu.memory_space<semaphore_mem>>) src(%dma_wait3A_550 : memref<64x128xf32, #tpu.memory_space<vmem>>) dst(%dma_wait3A_546 : memref<64x128xf32, #tpu.memory_space<hbm>>)
    return
  }
}

</mosaic_0001>

<sc_bundles>
// kernel: kernel.3.cloned.1.call-start
scs
__scs_entry_jumppad:
0x0: {  	(pc) =	sbr.rel $0x88, $3  }
0x1: {  	(tag) =	ssettag $0x0;
	lr =	simm.s32 $0x1  }
0x2: {  	[smem:$0x3F9F] =	sst lr;
	_ =	strace $0xD0000000  }
0x3: {  	_ = 	snop  }
0x4: {  	_ = 	snop  }
0x5: {  	_ = 	snop  }
0x6: {  	_ = 	snop  }
0x7: {  	_ = 	snop  }
__scs_overlays_trampoline_lowered:
0x8: {  	[smem:$0x3FAE] =	sst s0  }
0x9: {  	[smem:$0x3FAF] =	sst s1  }
0xa: {  	[smem:$0x3FB0] =	sst s2  }
0xb: {  	[smem:$0x3FB1] =	sst s3  }
0xc: {  	[smem:$0x3FB2] =	sst s4  }
0xd: {  	[smem:$0x3FB3] =	sst s5  }
0xe: {  	[smem:$0x3FB4] =	sst s6  }
0xf: {  	[smem:$0x3FB5] =	sst s7  }
0x10: {  	[smem:$0x3FB6] =	sst s8  }
0x11: {  	[smem:$0x3FB7] =	sst s9;
	s0 =	simm.s32 @!p0 $0x0  }
0x12: {  	s1 =	sld [smem:$0x3F9D];
	s0 =	simm.s32 @p0 $0x1  }
0x13: {  	[smem:$0x3FB8] =	sst s0;
	s0 =	simm.s32 @!p1 $0x0  }
0x14: {  	s2 =	sld [smem:$0x3F9C];
	s0 =	simm.s32 @p1 $0x1  }
0x15: {  	[smem:$0x3FB9] =	sst s0;
	s0 =	simm.s32 @!p2 $0x0  }
0x16: {  	s3 =	sld [smem:$0x3FDB];
	s0 =	simm.s32 @p2 $0x1  }
0x17: {  	s4 =	simm.s32 $0x1BF5;
	[smem:$0x3FBB] =	sst s0  }
0x18: {  	s0 =	sld [smem:$0x3F9E];
	_ =	swait.ge [sflag:s4], $0x0  }
0x19: {  	s7 =	sld [smem:$0x3F9F]  }
0x1a: {  	s8 =	sadd.s32 $0xFFFFE003, lr  }
0x1b: {  	s9 =	sadd.s32 $0xFFFFFEF7, lr;
	s5 =	simm.s32 $0xFFFFFFFF;
	p2 =	slt.u32 s8, $0xFFFFF086  }
0x1c: {  	p1 =	slt.u32 s9, $0xF7A;
	s5 =	simm.s32 @!p2 $0x0  }
0x1d: {  	s5 =	simm.s32 @p1 $0x1;
	p0 =	seq.s32 s7, s2  }
0x1e: {  	s7 =	smul.u32 @!p0 $0xF7A, s2;
	p2 =	seq.s32 @!p0 s5, $0x0  }
0x1f: {  	s9 =	smul.u32 $0xF7A, s1;
	s8 =	simm.s32 @!p0 $0x1BF5;
	p2 =	por !p2, p0  }
0x20: {  	[sflag:s8] =	ssyncset.s32 @!p0 $0xFFFFF086;
	s6 =	sadd.s32 @!p0 s3, s7;
	s7 =	simm.s32 @!p0 $0x108  }
0x21: {  	s3 =	sadd.s32 s3, s9;
	s6 =	sadd.s32 @!p0 $0x88, s6;
	s7 =	simm.s32 @p2 $0x1082  }
0x22: {  	[simem:s7], [sflag:s8] =	dma.local @!p0 [hbm:s6], $0xF7A  }
0x23: {  	s9 =	sor.u32 $0xD0000000, s2;
	s6 =	simm.s32 $0x108;
	_ =	swait.ge @!p0 [sflag:s8], $0x0  }
0x24: {  	s3 =	sadd.s32 $0x88, s3;
	s6 =	simm.s32 @!p1 $0x1082;
	[sflag:s4] =	ssyncset.s32 $0xFFFFF086  }
0x25: {  	[simem:s6], [sflag:s4] =	dma.local [hbm:s3], $0xF7A  }
0x26: {  	[smem:$0x3F9F] =	sst s1;
	(tag) =	ssettag s2;
	_ =	strace s9  }
0x27: {  	s1 =	sld [smem:$0x3FAF]  }
0x28: {  	s2 =	sld [smem:$0x3FB0]  }
0x29: {  	s4 =	sld [smem:$0x3FB2]  }
0x2a: {  	p0 =	seq.s32 s5, $0x0;
	s5 =	sld [smem:$0x3FB3]  }
0x2b: {  	s6 =	sld [smem:$0x3FB4]  }
0x2c: {  	s7 =	sld [smem:$0x3FB5]  }
0x2d: {  	s3 =	simm.s32 $0x108;
	s8 =	sld [smem:$0x3FB6]  }
0x2e: {  	s3 =	simm.s32 @!p0 $0x1082;
	s9 =	sld [smem:$0x3FB7]  }
0x2f: {  	lr =	sadd.s32 s0, s3;
	s0 =	sld [smem:$0x3FAE]  }
0x30: {  	s3 =	sld [smem:$0x3FB1]  }
0x31: {  	[smem:$0x3FBA] =	sst s10  }
0x32: {  	s10 =	sld [smem:$0x3FB8];
	_ =	sdelay $0x3  }
0x33: {  	p0 =	seq.s32 s10, $0x1;
	s10 =	sld [smem:$0x3FBA];
	_ =	sdelay $0x3  }
0x34: {  	[smem:$0x3FBA] =	sst s10  }
0x35: {  	s10 =	sld [smem:$0x3FB9];
	_ =	sdelay $0x3  }
0x36: {  	p1 =	seq.s32 s10, $0x1;
	s10 =	sld [smem:$0x3FBA];
	_ =	sdelay $0x3  }
0x37: {  	[smem:$0x3FBA] =	sst s10  }
0x38: {  	s10 =	sld [smem:$0x3FBB]  }
0x39: {  	_ = 	snop;
	(pc) =	sbr.ind lr, $3  }
0x3a: {  	_ = 	snop  }
0x3b: {  	_ = 	snop  }
0x3c: {  	p2 =	seq.s32 s10, $0x1;
	s10 =	sld [smem:$0x3FBA]  }
0x3d: {  	_ =	shalt  }
0x3e: {  	_ =	shalt  }
0x3f: {  	_ =	shalt  }
0x40: {  	_ =	shalt  }
0x41: {  	_ =	shalt  }
0x42: {  	_ =	shalt  }
0x43: {  	_ =	shalt  }
0x44: {  	_ =	shalt  }
0x45: {  	_ =	shalt  }
0x46: {  	_ =	shalt  }
0x47: {  	_ =	shalt  }
0x48: {  	_ =	shalt  }
0x49: {  	_ =	shalt  }
0x4a: {  	_ =	shalt  }
0x4b: {  	_ =	shalt  }
0x4c: {  	_ =	shalt  }
0x4d: {  	_ =	shalt  }
0x4e: {  	_ =	shalt  }
0x4f: {  	_ =	shalt  }
0x50: {  	_ =	shalt  }
0x51: {  	_ =	shalt  }
0x52: {  	_ =	shalt  }
0x53: {  	_ =	shalt  }
0x54: {  	_ =	shalt  }
0x55: {  	_ =	shalt  }
0x56: {  	_ =	shalt  }
0x57: {  	_ =	shalt  }
0x58: {  	_ =	shalt  }
0x59: {  	_ =	shalt  }
0x5a: {  	_ =	shalt  }
0x5b: {  	_ =	shalt  }
0x5c: {  	_ =	shalt  }
0x5d: {  	_ =	shalt  }
0x5e: {  	_ =	shalt  }
0x5f: {  	_ =	shalt  }
0x60: {  	_ =	shalt  }
0x61: {  	_ =	shalt  }
0x62: {  	_ =	shalt  }
0x63: {  	_ =	shalt  }
0x64: {  	_ =	shalt  }
0x65: {  	_ =	shalt  }
0x66: {  	_ =	shalt  }
0x67: {  	_ =	shalt  }
0x68: {  	_ =	shalt  }
0x69: {  	_ =	shalt  }
0x6a: {  	_ =	shalt  }
0x6b: {  	_ =	shalt  }
0x6c: {  	_ =	shalt  }
0x6d: {  	_ =	shalt  }
0x6e: {  	_ =	shalt  }
0x6f: {  	_ =	shalt  }
0x70: {  	_ =	shalt  }
0x71: {  	_ =	shalt  }
0x72: {  	_ =	shalt  }
0x73: {  	_ =	shalt  }
0x74: {  	_ =	shalt  }
0x75: {  	_ =	shalt  }
0x76: {  	_ =	shalt  }
0x77: {  	_ =	shalt  }
0x78: {  	_ =	shalt  }
0x79: {  	_ =	shalt  }
0x7a: {  	_ =	shalt  }
0x7b: {  	_ =	shalt  }
0x7c: {  	_ =	shalt  }
0x7d: {  	_ =	shalt  }
0x7e: {  	_ =	shalt  }
0x7f: {  	_ =	shalt  }
0x80: {  	_ =	shalt  }
0x81: {  	_ =	shalt  }
0x82: {  	_ =	shalt  }
0x83: {  	_ =	shalt  }
0x84: {  	_ =	shalt  }
0x85: {  	_ =	shalt  }
0x86: {  	_ =	shalt  }
0x87: {  	_ =	shalt  }
.Lfunc_end0:
.L_simem_size_0:
called_computation_lowered:
.L_overlay_start_0:
0x88: {  	s2 =	sld [smem:$0x3FD9]  }
0x89: {  	s3 =	sld [smem:$0x3FFE];
	_ =	sdelay $0x1  }
0x8a: {  	s1 =	srdreg.scid  }
0x8b: {  	s0 =	sand.u32 $0x1, s1  }
0x8c: {  	s17 =	sshll.u32 s0, $0xA;
	s2 =	sadd.s32 s3, s2  }
0x8d: {  	s2 =	sadd.s32 s2, s17  }
0x8e: {  	[smem:$0x3FC6] =	sst s2  }
0x8f: {  	_ = 	snop  }
0x90: {  	s2 =	sld [smem:$0x3FC8]  }
0x91: {  	s18 =	sld [smem:$0x3FD0];
	(tm) =	ssettm $0x1  }
0x92: {  	s4 =	sld [smem:$0x3FFB];
	_ =	sdelay $0x3  }
0x93: {  	_ =	strace s4  }
0x94: {  	s4 =	sld [smem:$0x3FFC];
	_ =	sdelay $0x3  }
0x95: {  	_ =	strace s4  }
0x96: {  	s4 =	sld [smem:$0x3FFD];
	_ =	sdelay $0x3  }
0x97: {  	_ =	strace s4  }
0x98: {  	_ =	strace $0x8FFFFFFF  }
0x99: {  	s19 =	sld [smem:$0x3FDB];
	_ =	sdelay $0x1  }
0x9a: {  	s5 =	simm.s32 $_scs_section_size  }
0x9b: {  	s6 =	simm.s32 $_size__tile_overlayer_lowered;
	s7 =	simm.s32 $_tile_overlayer_lowered  }
0x9c: {  	s22 =	simm.s32 $0x1BFF;
	s21 =	sshll.u32 s7, $0x1;
	s4 =	sadd.s32 s5, s19  }
0x9d: {  	s8 =	simm.s32 $0x0;
	s20 =	sshll.u32 s6, $0x1;
	s6 =	sadd.s32 s21, s4  }
0x9e: {  	[timem:s8], [sflag:s22] =	dma.local [hbm:s6], s20  }
0x9f: {  	_ =	swait.ge [sflag:s22], s20  }
0xa0: {  	s5 =	ssub.s32 $0x0, s20;
	[sflag:s22] =	ssyncset.done $0x0  }
0xa1: {  	[sflag:s22] =	ssyncadd.s32 s5;
	_ =	sdelay $0x1  }
0xa2: {  	s23 =	simm.s32 $0x1B8B  }
0xa3: {  	_ =	swait.ge [sflag:s23], $0x1  }
0xa4: {  	[sflag:s23] =	ssyncset.done $0x0  }
0xa5: {  	s25 =	simm.s32 $0x1B8E;
	s24 =	sld [smem:$0x3FFE];
	[sflag:s23] =	ssyncadd.s32 $0xFFFFFFFF  }
0xa6: {  	s26 =	simm.s32 $execute0_lowered;
	[smem:$0x3FD2] =	sst s25  }
0xa7: {  	s6 =	sshll.u32 s26, $0x1;
	_ =	strace $0x80000046;
	[dreg:$0x1] =	wrdreg $0xFFFFFFFF  }
0xa8: {  	s28 =	simm.s32 $_size_execute0_lowered;
	s4 =	sadd.s32 s4, s6;
	[dreg:$0x0] =	wrdreg $0x0  }
0xa9: {  	s6 =	sshll.u32 s28, $0x1;
	[dreg:$0x2] =	wrdreg s4  }
0xaa: {  	[dreg:$0x3] =	wrdreg s6  }
0xab: {  	[dreg:$0x4] =	wrdreg $0xC0  }
0xac: {  	_ =	task [dreg:s8], $0x5FFFF  }
0xad: {  	[dreg:$0x1] =	wrdreg $0xFFFFFFFF  }
0xae: {  	[dreg:$0x0] =	wrdreg $0x60  }
0xaf: {  	[dreg:$0x2] =	wrdreg s24  }
0xb0: {  	[dreg:$0x3] =	wrdreg s2  }
0xb1: {  	[dreg:$0x4] =	wrdreg s18  }
0xb2: {  	[dreg:$0x5] =	wrdreg $0x104000  }
0xb3: {  	[dreg:$0x6] =	wrdreg $0x9  }
0xb4: {  	_ =	task.clear_ibuf [dreg:s8], $0x7FFFF;
	_ =	strace $0x90000046  }
0xb5: {  	s29 =	simm.s32 $0x9;
	_ =	strace $0x80000048  }
0xb6: {  	_ =	swait.ge [sflag:s29], $0x1  }
0xb7: {  	[sflag:s29] =	ssyncadd.s32 $0xFFFFFFFF  }
0xb8: {  	_ =	strace $0x90000048  }
0xb9: {  	_ =	sfence  }
0xba: {  	s30 =	sld [smem:$0x0];
	_ =	sdelay $0x2  }
0xbb: {  	s31 =	sshll.u32 s1, $0xD;
	s1 =	sshrl.u32 s1, $0x2  }
0xbc: {  	s3 =	sand.u32 $0x4000, s31;
	s1 =	sadd.s32 s1, s30  }
0xbd: {  	s0 =	sor.u32 s3, s0;
	s1 =	sshll.u32 s1, $0x11  }
0xbe: {  	s0 =	sor.u32 s1, s0  }
0xbf: {  	s0 =	sadd.s32 $0x8F2B, s0  }
0xc0: {  	[sflag:s0] =	ssyncadd.remote.s32 $0x1  }
0xc1: {  	_ =	sfence.sel $0xFFFF  }
0xc2: {  	[dreg:$0x0] =	wrdreg $0xFFFFFFFF;
	(pc) =	sbr.abs _section_cstart, $3  }
0xc3: {  	[dreg:$0x1] =	wrdreg $0xFFFFFFFF  }
0xc4: {  	_ =	task.clear_ibuf [dreg:s8], $0x2FFFF;
	_ =	strace $0x9FFFFFFF  }
0xc5: {  	(tm) =	ssettm $0x7FFFFFFF  }
tec
execute0_lowered:
.L_overlay_start_1:
0x0: {  	(tag) =	ssettag $0x1  }
0x1: {  	s1 =	rddreg [dreg:$0x0]  }
0x2: {  	s10 =	rddreg [dreg:$0x1];
	s0 =	srdreg.scid  }
0x3: {  	s7 =	stileid.u32;
	s2 =	rddreg [dreg:$0x2]  }
0x4: {  	s3 =	rddreg [dreg:$0x3];
	s0 =	sand.u32 $0x1, s0;
	s4 =	sshll.u32 s7, $0x1  }
0x5: {  	s19 =	sshll.u32 s7, $0x6;
	s5 =	sor.u32 s0, s4;
	s4 =	simm.s32 $0x0  }
0x6: {  	s20 =	sor.u32 $0x1C12, s19;
	[smem:$0x7FF] =	sst s4  }
0x7: {  	s9 =	simm.s32 $0x80;
	_ =	strace $0x80000047;
	[dreg:$0x7] =	wrdreg s20  }
0x8: {  	s11 =	simm.s32 $0x100;
	[dreg:$0x10] =	wrdreg s9  }
0x9: {  	s12 =	simm.s32 $0x180;
	[dreg:$0x11] =	wrdreg s11  }
0xa: {  	s13 =	simm.s32 $0x200;
	[dreg:$0x12] =	wrdreg s12  }
0xb: {  	s14 =	simm.s32 $0x280;
	[dreg:$0x13] =	wrdreg s13  }
0xc: {  	s15 =	simm.s32 $0x300;
	s6 =	sshll.u32 s5, $0x7;
	[dreg:$0x14] =	wrdreg s14  }
0xd: {  	s5 =	sshll.u32 s5, $0xD;
	s1 =	sadd.s32 s6, s1;
	[dreg:$0x15] =	wrdreg s15  }
0xe: {  	s5 =	sadd.s32 s2, s5;
	s1 =	sadd.s32 $0x400, s1;
	s16 =	rddreg [dreg:$0x7]  }
0xf: {  	s21 =	sadd.s32 $0x400, s5;
	[dreg:$0x5] =	wrdreg s1  }
0x10: {  	s22 =	sadd.s32 $0x800, s5;
	[dreg:$0x8] =	wrdreg s21  }
0x11: {  	s23 =	sadd.s32 $0xC00, s5;
	[dreg:$0x9] =	wrdreg s22  }
0x12: {  	s24 =	sadd.s32 $0x1000, s5;
	[dreg:$0xa] =	wrdreg s23  }
0x13: {  	s18 =	sshll.u32 s7, $0x9;
	s25 =	sadd.s32 $0x1400, s5;
	[dreg:$0xb] =	wrdreg s24  }
0x14: {  	s26 =	sshll.u32 s7, $0xC;
	s6 =	sadd.s32 $0x1800, s5;
	[dreg:$0xc] =	wrdreg s25  }
0x15: {  	s2 =	sadd.s32 s26, s3;
	s7 =	sadd.s32 $0x1C00, s5;
	[dreg:$0xd] =	wrdreg s6  }
0x16: {  	s8 =	sshrl.u32 s2, $0x3;
	[dreg:$0xe] =	wrdreg s7  }
0x17: {  	s1 =	sadd.s32 s10, s18;
	[dreg:$0xf] =	wrdreg s8  }
0x18: {  	[dreg:$0x6] =	wrdreg s1  }
0x19: {  	s18 =	rddreg [dreg:$0x5]  }
0x1a: {  	s8 =	simm.s32 $0x380;
	s9 =	rddreg [dreg:$0xf]  }
0x1b: {  	[dreg:$0x16] =	wrdreg s8  }
0x1c: {  	s6 =	simm.s32 $0x11;
	s17 =	rddreg [dreg:$0x6]  }
0x1d: {  	[tilespmem:s4], [sflag:$0x11] =	stream.linear.gather [hbm4b:s18+s4], $0x400, $0x38;
	[tilespmem:$0x11400] =	vst v63  }
0x1e: {  	[spmem:s9], [sflag:s16] =	dma.local [hbm:s17], $0x200  }
0x1f: {  	_ =	swait.ge [sflag:s6], $0x400  }
0x20: {  	s19 =	simm.s32 $0x400;
	[sflag:s6] =	ssyncset.done $0x0  }
0x21: {  	s7 =	simm.s32 $0x40;
	s9 =	simm.s32 $0x12;
	[sflag:s6] =	ssyncadd.s32 $0xFFFFFC00  }
0x22: {  	[tilespmem:s19], [sflag:$0x1] =	stream.indirect.gather [hbm4b:s10+s7], $0x80, s4, s7, $0xb8;
	[tilespmem:$0x11400] =	vst v63  }
0x23: {  	_ =	swait.ge [sflag:s9], $0x200  }
0x24: {  	[sflag:s9] =	ssyncset.done $0x0  }
0x25: {  	[sflag:s9] =	ssyncadd.s32 $0xFFFFFE00  }
0x26: {  	[bflag:$0x0] =	sbarrier.arrive $0xFFFF  }
0x27: {  	s16 =	simm.s32 $0x2400;
	s15 =	rddreg [dreg:$0x10]  }
0x28: {  	[tilespmem:s16], [sflag:$0x2] =	stream.indirect.gather [spmem:s3], $0x80, s15, s7, $0xb8;
	[tilespmem:$0x11400] =	vst v63  }
0x29: {  	s11 =	simm.s32 $0x4400;
	s20 =	rddreg [dreg:$0x11]  }
0x2a: {  	[tilespmem:s11], [sflag:$0x3] =	stream.indirect.gather [spmem:s3], $0x80, s20, s7, $0xb8;
	[tilespmem:$0x11400] =	vst v63  }
0x2b: {  	s13 =	simm.s32 $0x6400;
	s21 =	rddreg [dreg:$0x12]  }
0x2c: {  	[tilespmem:s13], [sflag:$0x4] =	stream.indirect.gather [spmem:s3], $0x80, s21, s7, $0xb8;
	[tilespmem:$0x11400] =	vst v63  }
0x2d: {  	s14 =	simm.s32 $0x8400;
	s22 =	rddreg [dreg:$0x13]  }
0x2e: {  	[tilespmem:s14], [sflag:$0x5] =	stream.indirect.gather [spmem:s3], $0x80, s22, s7, $0xb8;
	[tilespmem:$0x11400] =	vst v63  }
0x2f: {  	s23 =	rddreg [dreg:$0x14];
	s15 =	simm.s32 $0xA400  }
0x30: {  	[tilespmem:s15], [sflag:$0x6] =	stream.indirect.gather [spmem:s3], $0x80, s23, s7, $0xb8;
	[tilespmem:$0x11400] =	vst v63  }
0x31: {  	s12 =	simm.s32 $0xC400;
	s24 =	rddreg [dreg:$0x15]  }
0x32: {  	[tilespmem:s12], [sflag:$0x7] =	stream.indirect.gather [spmem:s3], $0x80, s24, s7, $0xb8;
	[tilespmem:$0x11400] =	vst v63  }
0x33: {  	s26 =	simm.s32 $0xE400;
	s17 =	simm.s32 $0x1;
	s25 =	rddreg [dreg:$0x16]  }
0x34: {  	[tilespmem:s26], [sflag:$0x8] =	stream.indirect.gather [spmem:s3], $0x80, s25, s7, $0xb8;
	[tilespmem:$0x11400] =	vst v63  }
0x35: {  	_ =	swait.ge [sflag:s17], $0x2000  }
0x36: {  	[sflag:s17] =	ssyncset.done $0x0  }
0x37: {  	s18 =	simm.s32 $0x2;
	[dreg:$0x17] =	wrdreg s5;
	[sflag:s17] =	ssyncadd.s32 $0xFFFFE000  }
0x38: {  	[hbm4b:s5+s4] =	stream.linear.scatter [tilespmem:s19], [sflag:$0x9], $0x2000, $0x38;
	[tilespmem:$0x11400] =	vst v63  }
0x39: {  	_ =	swait.ge [sflag:s18], $0x2000  }
0x3a: {  	[sflag:s18] =	ssyncset.done $0x0  }
0x3b: {  	s19 =	simm.s32 $0x3;
	s5 =	rddreg [dreg:$0x8];
	[sflag:s18] =	ssyncadd.s32 $0xFFFFE000  }
0x3c: {  	[hbm4b:s5+s4] =	stream.linear.scatter [tilespmem:s16], [sflag:$0xA], $0x2000, $0x38;
	[tilespmem:$0x11400] =	vst v63  }
0x3d: {  	_ =	swait.ge [sflag:s19], $0x2000  }
0x3e: {  	[sflag:s19] =	ssyncset.done $0x0  }
0x3f: {  	s20 =	simm.s32 $0x4;
	s8 =	rddreg [dreg:$0x9];
	[sflag:s19] =	ssyncadd.s32 $0xFFFFE000  }
0x40: {  	[hbm4b:s8+s4] =	stream.linear.scatter [tilespmem:s11], [sflag:$0xB], $0x2000, $0x38;
	[tilespmem:$0x11400] =	vst v63  }
0x41: {  	_ =	swait.ge [sflag:s20], $0x2000  }
0x42: {  	[sflag:s20] =	ssyncset.done $0x0  }
0x43: {  	s21 =	simm.s32 $0x5;
	s10 =	rddreg [dreg:$0xa];
	[sflag:s20] =	ssyncadd.s32 $0xFFFFE000  }
0x44: {  	[hbm4b:s10+s4] =	stream.linear.scatter [tilespmem:s13], [sflag:$0xC], $0x2000, $0x38;
	[tilespmem:$0x11400] =	vst v63  }
0x45: {  	_ =	swait.ge [sflag:s21], $0x2000  }
0x46: {  	[sflag:s21] =	ssyncset.done $0x0  }
0x47: {  	s22 =	simm.s32 $0x6;
	s11 =	rddreg [dreg:$0xb];
	[sflag:s21] =	ssyncadd.s32 $0xFFFFE000  }
0x48: {  	[hbm4b:s11+s4] =	stream.linear.scatter [tilespmem:s14], [sflag:$0xD], $0x2000, $0x38;
	[tilespmem:$0x11400] =	vst v63  }
0x49: {  	_ =	swait.ge [sflag:s22], $0x2000  }
0x4a: {  	[sflag:s22] =	ssyncset.done $0x0  }
0x4b: {  	s23 =	simm.s32 $0x7;
	s13 =	rddreg [dreg:$0xc];
	[sflag:s22] =	ssyncadd.s32 $0xFFFFE000  }
0x4c: {  	[hbm4b:s13+s4] =	stream.linear.scatter [tilespmem:s15], [sflag:$0xE], $0x2000, $0x38;
	[tilespmem:$0x11400] =	vst v63  }
0x4d: {  	_ =	swait.ge [sflag:s23], $0x2000  }
0x4e: {  	[sflag:s23] =	ssyncset.done $0x0  }
0x4f: {  	s24 =	simm.s32 $0x8;
	s14 =	rddreg [dreg:$0xd];
	[sflag:s23] =	ssyncadd.s32 $0xFFFFE000  }
0x50: {  	[hbm4b:s14+s4] =	stream.linear.scatter [tilespmem:s12], [sflag:$0xF], $0x2000, $0x38;
	[tilespmem:$0x11400] =	vst v63  }
0x51: {  	_ =	swait.ge [sflag:s24], $0x2000  }
0x52: {  	[sflag:s24] =	ssyncset.done $0x0  }
0x53: {  	s25 =	simm.s32 $0x9;
	s15 =	rddreg [dreg:$0xe];
	[sflag:s24] =	ssyncadd.s32 $0xFFFFE000  }
0x54: {  	[hbm4b:s15+s4] =	stream.linear.scatter [tilespmem:s26], [sflag:$0x10], $0x2000, $0x38;
	[tilespmem:$0x11400] =	vst v63  }
0x55: {  	_ =	swait.ge [sflag:s25], $0x2000  }
0x56: {  	[sflag:s25] =	ssyncset.done $0x0  }
0x57: {  	s26 =	simm.s32 $0xA;
	[sflag:s25] =	ssyncadd.s32 $0xFFFFE000  }
0x58: {  	_ =	swait.ge [sflag:s26], $0x2000  }
0x59: {  	[sflag:s26] =	ssyncset.done $0x0  }
0x5a: {  	s28 =	simm.s32 $0xB;
	[sflag:s26] =	ssyncadd.s32 $0xFFFFE000  }
0x5b: {  	_ =	swait.ge [sflag:s28], $0x2000  }
0x5c: {  	[sflag:s28] =	ssyncset.done $0x0  }
0x5d: {  	s29 =	simm.s32 $0xC;
	[sflag:s28] =	ssyncadd.s32 $0xFFFFE000  }
0x5e: {  	_ =	swait.ge [sflag:s29], $0x2000  }
0x5f: {  	[sflag:s29] =	ssyncset.done $0x0  }
0x60: {  	s30 =	simm.s32 $0xD;
	[sflag:s29] =	ssyncadd.s32 $0xFFFFE000  }
0x61: {  	s0 =	ssub.s32 $0x2, s0;
	_ =	swait.ge [sflag:s30], $0x2000  }
0x62: {  	s16 =	sshrl.u32 s0, $0x1;
	[sflag:s30] =	ssyncset.done $0x0  }
0x63: {  	s31 =	simm.s32 $0xE;
	s0 =	ssub.s32 s0, s16;
	[sflag:s30] =	ssyncadd.s32 $0xFFFFE000  }
0x64: {  	s2 =	smax.u32 s0, $0x1;
	_ =	swait.ge [sflag:s31], $0x2000  }
0x65: {  	p0 =	sne.s32 s2, $0x1;
	[sflag:s31] =	ssyncset.done $0x0  }
.Ltmp0:
0x66: {  	s1 =	simm.s32 $0xF;
	[sflag:s31] =	ssyncadd.s32 $0xFFFFE000;
	(pc) =	sbr.rel @!p0 .LBB2_3-.Ltmp0, $4  }
0x67: {  	_ =	swait.ge [sflag:s1], $0x2000  }
0x68: {  	[sflag:s1] =	ssyncset.done $0x0  }
0x69: {  	s0 =	simm.s32 $0x10;
	[sflag:s1] =	ssyncadd.s32 $0xFFFFE000  }
0x6a: {  	s2 =	sadd.s32 $0xFFFFFFFF, s2;
	_ =	swait.ge [sflag:s0], $0x2000  }
0x6b: {  	s13 =	simm.s32 $0x4400;
	s14 =	simm.s32 $0x6400  }
0x6c: {  	s15 =	simm.s32 $0x8400;
	s16 =	simm.s32 $0xA400;
	s12 =	simm.s32 $0xC400  }
.LBB2_2:
0x6d: {  	s5 =	rddreg [dreg:$0x7]  }
0x6e: {  	s8 =	rddreg [dreg:$0x6]  }
0x6f: {  	[sflag:s0] =	ssyncset.done $0x0;
	s10 =	rddreg [dreg:$0x5]  }
0x70: {  	s11 =	rddreg [dreg:$0xf];
	[sflag:s0] =	ssyncadd.s32 $0xFFFFE000  }
0x71: {  	[tilespmem:s4], [sflag:$0x11] =	stream.linear.gather [hbm4b:s10+s4], $0x400, $0x38;
	[tilespmem:$0x11400] =	vst v63  }
0x72: {  	[spmem:s11], [sflag:s5] =	dma.local [hbm:s8], $0x200  }
0x73: {  	_ =	swait.ge [sflag:s6], $0x400  }
0x74: {  	[sflag:s6] =	ssyncset.done $0x0  }
0x75: {  	[sflag:s6] =	ssyncadd.s32 $0xFFFFFC00  }
0x76: {  	s10 =	simm.s32 $0x400;
	s8 =	rddreg [dreg:$0x1]  }
0x77: {  	[tilespmem:s10], [sflag:$0x1] =	stream.indirect.gather [hbm4b:s8+s7], $0x80, s4, s7, $0xb8;
	[tilespmem:$0x11400] =	vst v63  }
0x78: {  	_ =	swait.ge [sflag:s9], $0x200  }
0x79: {  	[sflag:s9] =	ssyncset.done $0x0  }
0x7a: {  	[sflag:s9] =	ssyncadd.s32 $0xFFFFFE00  }
0x7b: {  	[bflag:$0x0] =	sbarrier.arrive $0xFFFF  }
0x7c: {  	s11 =	simm.s32 $0x2400;
	s5 =	rddreg [dreg:$0x10]  }
0x7d: {  	[tilespmem:s11], [sflag:$0x2] =	stream.indirect.gather [spmem:s3], $0x80, s5, s7, $0xb8;
	[tilespmem:$0x11400] =	vst v63  }
0x7e: {  	s8 =	rddreg [dreg:$0x11]  }
0x7f: {  	[tilespmem:s13], [sflag:$0x3] =	stream.indirect.gather [spmem:s3], $0x80, s8, s7, $0xb8;
	[tilespmem:$0x11400] =	vst v63  }
0x80: {  	s5 =	rddreg [dreg:$0x12]  }
0x81: {  	[tilespmem:s14], [sflag:$0x4] =	stream.indirect.gather [spmem:s3], $0x80, s5, s7, $0xb8;
	[tilespmem:$0x11400] =	vst v63  }
0x82: {  	s8 =	rddreg [dreg:$0x13]  }
0x83: {  	[tilespmem:s15], [sflag:$0x5] =	stream.indirect.gather [spmem:s3], $0x80, s8, s7, $0xb8;
	[tilespmem:$0x11400] =	vst v63  }
0x84: {  	s5 =	rddreg [dreg:$0x14]  }
0x85: {  	[tilespmem:s16], [sflag:$0x6] =	stream.indirect.gather [spmem:s3], $0x80, s5, s7, $0xb8;
	[tilespmem:$0x11400] =	vst v63  }
0x86: {  	s8 =	rddreg [dreg:$0x15]  }
0x87: {  	[tilespmem:s12], [sflag:$0x7] =	stream.indirect.gather [spmem:s3], $0x80, s8, s7, $0xb8;
	[tilespmem:$0x11400] =	vst v63  }
0x88: {  	s5 =	rddreg [dreg:$0x16];
	s8 =	simm.s32 $0xE400  }
0x89: {  	[tilespmem:s8], [sflag:$0x8] =	stream.indirect.gather [spmem:s3], $0x80, s5, s7, $0xb8;
	[tilespmem:$0x11400] =	vst v63  }
0x8a: {  	_ =	swait.ge [sflag:s17], $0x2000  }
0x8b: {  	[sflag:s17] =	ssyncset.done $0x0  }
0x8c: {  	s5 =	rddreg [dreg:$0x17];
	[sflag:s17] =	ssyncadd.s32 $0xFFFFE000  }
0x8d: {  	[hbm4b:s5+s4] =	stream.linear.scatter [tilespmem:s10], [sflag:$0x9], $0x2000, $0x38;
	[tilespmem:$0x11400] =	vst v63  }
0x8e: {  	_ =	swait.ge [sflag:s18], $0x2000  }
0x8f: {  	[sflag:s18] =	ssyncset.done $0x0  }
0x90: {  	s10 =	rddreg [dreg:$0x8];
	[sflag:s18] =	ssyncadd.s32 $0xFFFFE000  }
0x91: {  	[hbm4b:s10+s4] =	stream.linear.scatter [tilespmem:s11], [sflag:$0xA], $0x2000, $0x38;
	[tilespmem:$0x11400] =	vst v63  }
0x92: {  	_ =	swait.ge [sflag:s19], $0x2000  }
0x93: {  	[sflag:s19] =	ssyncset.done $0x0  }
0x94: {  	s10 =	rddreg [dreg:$0x9];
	[sflag:s19] =	ssyncadd.s32 $0xFFFFE000  }
0x95: {  	[hbm4b:s10+s4] =	stream.linear.scatter [tilespmem:s13], [sflag:$0xB], $0x2000, $0x38;
	[tilespmem:$0x11400] =	vst v63  }
0x96: {  	_ =	swait.ge [sflag:s20], $0x2000  }
0x97: {  	[sflag:s20] =	ssyncset.done $0x0  }
0x98: {  	s11 =	rddreg [dreg:$0xa];
	[sflag:s20] =	ssyncadd.s32 $0xFFFFE000  }
0x99: {  	[hbm4b:s11+s4] =	stream.linear.scatter [tilespmem:s14], [sflag:$0xC], $0x2000, $0x38;
	[tilespmem:$0x11400] =	vst v63  }
0x9a: {  	_ =	swait.ge [sflag:s21], $0x2000  }
0x9b: {  	[sflag:s21] =	ssyncset.done $0x0  }
0x9c: {  	s10 =	rddreg [dreg:$0xb];
	[sflag:s21] =	ssyncadd.s32 $0xFFFFE000  }
0x9d: {  	[hbm4b:s10+s4] =	stream.linear.scatter [tilespmem:s15], [sflag:$0xD], $0x2000, $0x38;
	[tilespmem:$0x11400] =	vst v63  }
0x9e: {  	_ =	swait.ge [sflag:s22], $0x2000  }
0x9f: {  	[sflag:s22] =	ssyncset.done $0x0  }
0xa0: {  	s11 =	rddreg [dreg:$0xc];
	[sflag:s22] =	ssyncadd.s32 $0xFFFFE000  }
0xa1: {  	[hbm4b:s11+s4] =	stream.linear.scatter [tilespmem:s16], [sflag:$0xE], $0x2000, $0x38;
	[tilespmem:$0x11400] =	vst v63  }
0xa2: {  	_ =	swait.ge [sflag:s23], $0x2000  }
0xa3: {  	[sflag:s23] =	ssyncset.done $0x0  }
0xa4: {  	s10 =	rddreg [dreg:$0xd];
	[sflag:s23] =	ssyncadd.s32 $0xFFFFE000  }
0xa5: {  	[hbm4b:s10+s4] =	stream.linear.scatter [tilespmem:s12], [sflag:$0xF], $0x2000, $0x38;
	[tilespmem:$0x11400] =	vst v63  }
0xa6: {  	_ =	swait.ge [sflag:s24], $0x2000  }
0xa7: {  	[sflag:s24] =	ssyncset.done $0x0  }
0xa8: {  	s11 =	rddreg [dreg:$0xe];
	[sflag:s24] =	ssyncadd.s32 $0xFFFFE000  }
0xa9: {  	[hbm4b:s11+s4] =	stream.linear.scatter [tilespmem:s8], [sflag:$0x10], $0x2000, $0x38;
	[tilespmem:$0x11400] =	vst v63  }
0xaa: {  	_ =	swait.ge [sflag:s25], $0x2000  }
0xab: {  	[sflag:s25] =	ssyncset.done $0x0  }
0xac: {  	[sflag:s25] =	ssyncadd.s32 $0xFFFFE000  }
0xad: {  	_ =	swait.ge [sflag:s26], $0x2000  }
0xae: {  	[sflag:s26] =	ssyncset.done $0x0  }
0xaf: {  	[sflag:s26] =	ssyncadd.s32 $0xFFFFE000  }
0xb0: {  	_ =	swait.ge [sflag:s28], $0x2000  }
0xb1: {  	[sflag:s28] =	ssyncset.done $0x0  }
0xb2: {  	[sflag:s28] =	ssyncadd.s32 $0xFFFFE000  }
0xb3: {  	_ =	swait.ge [sflag:s29], $0x2000  }
0xb4: {  	[sflag:s29] =	ssyncset.done $0x0  }
0xb5: {  	[sflag:s29] =	ssyncadd.s32 $0xFFFFE000  }
0xb6: {  	_ =	swait.ge [sflag:s30], $0x2000  }
0xb7: {  	[sflag:s30] =	ssyncset.done $0x0  }
0xb8: {  	[sflag:s30] =	ssyncadd.s32 $0xFFFFE000  }
0xb9: {  	_ =	swait.ge [sflag:s31], $0x2000  }
0xba: {  	p0 =	sne.s32 s2, $0x1;
	[sflag:s31] =	ssyncset.done $0x0  }
.Ltmp1:
0xbb: {  	[sflag:s31] =	ssyncadd.s32 $0xFFFFE000;
	(pc) =	sbr.rel @p0 .LBB2_2-.Ltmp1, $4  }
0xbc: {  	_ =	swait.ge [sflag:s1], $0x2000  }
0xbd: {  	[sflag:s1] =	ssyncset.done $0x0  }
0xbe: {  	[sflag:s1] =	ssyncadd.s32 $0xFFFFE000  }
0xbf: {  	s2 =	sadd.s32 $0xFFFFFFFF, s2;
	_ =	swait.ge [sflag:s0], $0x2000  }
.LBB2_3:
0xc0: {  	[sflag:s0] =	ssyncset.done $0x0  }
0xc1: {  	[sflag:s0] =	ssyncadd.s32 $0xFFFFE000  }
0xc2: {  	_ =	sfence.sel $0x180000  }
0xc3: {  	[bflag:$0x0] =	sbarrier.arrive $0xFFFF  }
0xc4: {  	_ =	strace $0x90000047  }
0xc5: {  	s31 =	stileid.u32;
	[bflag:$0x2] =	sbarrier.arrive $0xFFFF  }
0xc6: {  	p0 =	sne.s32 s31, $0x0;
	s0 =	rddreg [dreg:$0x4]  }
0xc7: {  	s0 =	sadd.s32 @!p0 $0x100000, s0  }
0xc8: {  	[sflag:s0] =	ssyncadd.tile.s32 @!p0 $0x1;
	_ =	shalt  }
.Lfunc_end2:
_tile_overlayer_lowered:
.L_overlay_start_2:
0xc9: {  	(tag) =	ssettag $0x2  }
0xca: {  	s0 =	rddreg [dreg:$0x0];
	s2 =	stileid.u32  }
0xcb: {  	s1 =	rddreg [dreg:$0x1];
	p0 =	sne.s32 s2, $0x0  }
0xcc: {  	s3 =	rddreg [dreg:$0x2];
	[bflag:$0x3] =	sbarrier.arrive $0xFFFF;
	s2 =	simm.s32 @!p0 $0x1C13  }
0xcd: {  	[timem:s3], [sflag:s2] =	dma.local @!p0 [hbm:s0], s1  }
0xce: {  	s0 =	simm.s32 @!p0 $0x13  }
0xcf: {  	_ =	swait.ge @!p0 [sflag:s0], s1  }
0xd0: {  	s1 =	ssub.s32 @!p0 $0x0, s1;
	[sflag:s0] =	ssyncset.done @!p0 $0x0  }
0xd1: {  	[sflag:s0] =	ssyncadd.s32 @!p0 s1  }
0xd2: {  	[bflag:$0x3] =	sbarrier.arrive $0xFFFF  }
0xd3: {  	_ =	shalt  }

</sc_bundles>
